<compile_context>
chip_gen: v7x
topology: tpu7x:2x2x1
jax: 0.10.2.dev20260603
libtpu: 0.0.44.dev20260713+nightly
codegen_flags: <defaults>
</compile_context>

<pallas_src>
import functools

import jax
import jax.numpy as jnp
from jax import lax
from jax.experimental import pallas as pl
from jax.experimental.pallas import tpu as pltpu
from jax.experimental.pallas import tpu_sc as plsc

B, T, L, V, D = 4096, 20, 100, 1000000, 64
LP = 104
NW = 32
BPW = B // NW
CB = 4
NC = BPW // CB
QB = 8


TBLK = 2048


def _relayout_body(tt_ref, out_ref):
    t = tt_ref[...]
    out_ref[:, 0:D] = t.T
    out_ref[:, D:2 * D] = jnp.zeros((TBLK, D), jnp.float32)


def _relayout_call(table):
    return pl.pallas_call(
        _relayout_body,
        grid=((V + TBLK - 1) // TBLK,),
        in_specs=[pl.BlockSpec((D, TBLK), lambda i: (0, i))],
        out_specs=pl.BlockSpec((TBLK, 2 * D), lambda i: (i, 0)),
        out_shape=jax.ShapeDtypeStruct((V, 2 * D), jnp.float32),
    )(table.T)


def _emb_body(x_ref, lm_ref, table_ref, out_ref, lmp_ref):
    x = x_ref[...]
    acc = jnp.zeros((B, D), jnp.float32)
    for c in range(12):
        cnt = jnp.sum((x == c).astype(jnp.float32), axis=1)
        acc = acc + cnt[:, None] * table_ref[c, :][None, :]
    out_ref[...] = acc
    lmp_ref[...] = jnp.concatenate(
        [lm_ref[...], jnp.zeros((B, LP - L), jnp.int32)], axis=1)


def _emb_call(x, lm, table):
    return pl.pallas_call(
        _emb_body,
        out_shape=[jax.ShapeDtypeStruct((B, D), jnp.float32),
                   jax.ShapeDtypeStruct((B, LP), jnp.int32)],
    )(x, lm, table)


_mesh = plsc.VectorSubcoreMesh(core_axis_name="c", subcore_axis_name="s")


@functools.partial(
    pl.kernel,
    out_type=jax.ShapeDtypeStruct((B, L), jnp.float32),
    mesh=_mesh,
    compiler_params=pltpu.CompilerParams(
        use_tc_tiling_on_sc=True, needs_layout_passes=False),
    scratch_types=[
        pltpu.VMEM((BPW * LP,), jnp.int32),
        pltpu.VMEM((CB * LP, 2 * D), jnp.float32),
        pltpu.VMEM((CB * LP, 2 * D), jnp.float32),
        pltpu.VMEM((QB, D), jnp.float32),
        pltpu.VMEM((QB, L), jnp.float32),
        pltpu.SemaphoreType.DMA,
        pltpu.SemaphoreType.DMA,
    ],
)
def _logits_kernel(lm_hbm, emb_hbm, table_hbm, out_hbm,
                   lm_v, ring0, ring1, emb_v, log_v, sem0, sem1):
    wid = lax.axis_index("s") * 2 + lax.axis_index("c")
    tb0 = wid * BPW
    iota = lax.iota(jnp.int32, 16)
    bvec = jnp.bitwise_and(iota, 3)
    lhi = jnp.right_shift(iota, 2)

    rings = (ring0, ring1)
    sems = (sem0, sem1)

    def fire(c):
        def go(par):
            pltpu.async_copy(
                table_hbm.at[lm_v.at[pl.ds(c * CB * LP, CB * LP)]],
                rings[par], sems[par])
        return go

    def drain(par):
        pltpu.make_async_copy(
            table_hbm.at[lm_v.at[pl.ds(0, CB * LP)]],
            rings[par], sems[par]).wait()

    rowv = bvec * LP + lhi

    NSUB = 5

    def compute(k, par):
        ring = rings[par]
        bloc = k * CB + bvec

        def sub(s, carry):
            base = rowv + 4 * NSUB * s

            def body(d, accs):
                dvec = jnp.full((16,), d, jnp.int32)
                evec = plsc.load_gather(emb_v, [bloc, dvec])
                return tuple(
                    accs[k2] + evec * plsc.load_gather(
                        ring, [base + 4 * k2, dvec])
                    for k2 in range(NSUB))

            accs = lax.fori_loop(
                0, D, body,
                tuple(jnp.zeros((16,), jnp.float32) for _ in range(NSUB)))
            lcol = lhi + 4 * NSUB * s
            for k2 in range(NSUB):
                plsc.store_scatter(log_v, [bloc, lcol + 4 * k2], accs[k2])
            return carry

        lax.fori_loop(0, L // (4 * NSUB), sub, 0)

    pltpu.sync_copy(lm_hbm.at[pl.ds(tb0 * LP, BPW * LP)], lm_v)
    fire(0)(0)
    fire(1)(1)

    def block(i, carry):
        pltpu.sync_copy(emb_hbm.at[pl.ds(tb0 + i * QB, QB), :], emb_v)
        for k in range(2):
            c = 2 * i + k
            par = k % 2
            drain(par)
            compute(k, par)

            @pl.when(c + 2 < NC)
            def _():
                fire(c + 2)(par)
        pltpu.sync_copy(log_v, out_hbm.at[pl.ds(tb0 + i * QB, QB), :])
        return carry

    lax.fori_loop(0, 16, block, 0)


def _loss_body(logits_ref, y_ref, gum_ref, loss_ref, acc_ref):
    logits = logits_ref[...]
    y = y_ref[...]
    gum = gum_ref[...]
    prob = jax.nn.softmax(logits, axis=1)
    logp = jax.nn.log_softmax(prob, axis=1)
    ii = lax.broadcasted_iota(jnp.int32, (B, L), 1)
    picked = jnp.sum(jnp.where(ii == y, logp, 0.0), axis=1)
    loss_ref[0, 0] = -jnp.mean(picked)
    v = jnp.log(prob + 1e-20) + gum
    m = jnp.max(v, axis=1, keepdims=True)
    preds = jnp.min(jnp.where(v == m, ii, L), axis=1)
    acc_ref[0, 0] = jnp.mean((preds[:, None] == y).astype(jnp.float32))


def _loss_call(logits, y, gum):
    return pl.pallas_call(
        _loss_body,
        out_shape=[jax.ShapeDtypeStruct((1, 1), jnp.float32),
                   jax.ShapeDtypeStruct((1, 1), jnp.float32)],
        out_specs=[pl.BlockSpec(memory_space=pltpu.SMEM),
                   pl.BlockSpec(memory_space=pltpu.SMEM)],
    )(logits, y, gum)


def kernel(X_goldstandard, landmarks, y, goldstandard_table, emb_map_table):
    emb, lm_pad = _emb_call(X_goldstandard, landmarks, goldstandard_table)
    table_lin = _relayout_call(emb_map_table)
    logits = _logits_kernel(lm_pad.reshape(-1), emb, table_lin)
    gum = jax.random.gumbel(jax.random.key(1), (B, L), jnp.float32)
    loss2, acc2 = _loss_call(logits, y, gum)
    return (loss2[0, 0], acc2[0, 0])

# --- scband reference (transcript-rebuilt; emitter-appended) ---
"""Pipeline reference for scband-location-predictor-35141422416456 (READ-ONLY COPY).

The authoritative reference and input builder live on the scoring server;
editing this copy changes nothing except your own understanding.
"""

import jax, jax.numpy as jnp
import numpy as np

B, T, L, V, D = 4096, 20, 100, 1000000, 64

def setup_inputs(seed: int = 0) -> dict:
    key = jax.random.key(seed)
    k0, k1, k2, k3, k4 = jax.random.split(key, 5)
    X_goldstandard = jax.random.randint(k0, (B, T), 0, 12, dtype=jnp.int64 if jax.config.jax_enable_x64 else jnp.int32)
    landmarks = jax.random.randint(k1, (B, L), 0, V, dtype=jnp.int32)
    y = jax.random.randint(k2, (B, 1), 0, L, dtype=jnp.int32)
    # learned parameters
    goldstandard_table = jax.random.normal(k3, (12, D), dtype=jnp.float32)  # nn.Embedding(12, emb_sz)
    emb_map_table = jax.random.normal(k4, (V, D), dtype=jnp.float32) * 0.01  # MapEmbedding(num_embeddings, emb_sz, init_std=0.01)
    return {
        'X_goldstandard': X_goldstandard,
        'landmarks': landmarks,
        'y': y,
        'goldstandard_table': goldstandard_table,
        'emb_map_table': emb_map_table,
    }

def reference(X_goldstandard, landmarks, y, goldstandard_table, emb_map_table):
    batch_size = y.shape[0]
    # goldstandard_emb = Embedding(X['goldstandard']).sum(dim=1)
    emb = jnp.take(goldstandard_table, X_goldstandard, axis=0).sum(axis=1)  # [B, D]
    # l_emb = emb_map(landmarks)
    l_emb = jnp.take(emb_map_table, landmarks, axis=0)  # [B, L, D]
    # per-example matmul: score_i = l_emb[i] @ emb[i]
    logits = jnp.einsum('bld,bd->bl', l_emb, emb)  # [B, L]
    prob = jax.nn.softmax(logits, axis=1)
    # nn.CrossEntropyLoss applied to prob (as in original code): log_softmax of prob + NLL
    yv = y.squeeze(-1)
    logp = jax.nn.log_softmax(prob, axis=1)
    loss = -jnp.mean(logp[jnp.arange(batch_size), yv])
    # accuracy via multinomial sampling from prob (fixed key for determinism)
    preds = jax.random.categorical(jax.random.key(1), jnp.log(prob + 1e-20), axis=1)
    acc = jnp.mean((preds == yv).astype(jnp.float32))
    return (loss, acc)

if False:  # reference __main__ guard neutralized (emitter)
    out = reference(**setup_inputs())
    print(out[0], out[1])

if __name__ == "__main__":
    import jax
    _d = setup_inputs()
    print(jax.jit(kernel)(*tuple(_d.values())))

</pallas_src>

<mosaic_0001>
#map = affine_map<(d0, d1) -> (0)>
#map1 = affine_map<(d0, d1) -> (0, 0)>
module attributes {stable_mosaic.version = 14 : i64} {
  func.func @_logits_kernel(%arg0: i32, %arg1: i32, %arg2: memref<425984xi32, #tpu.memory_space<hbm>>, %arg3: memref<4096x64xf32, #tpu.memory_space<hbm>>, %arg4: memref<1000000x128xf32, #tpu.memory_space<hbm>>, %arg5: memref<4096x100xf32, #tpu.memory_space<hbm>>, %arg6: memref<13312xi32, #tpu.memory_space<vmem>>, %arg7: memref<416x128xf32, #tpu.memory_space<vmem>>, %arg8: memref<416x128xf32, #tpu.memory_space<vmem>>, %arg9: memref<8x64xf32, #tpu.memory_space<vmem>>, %arg10: memref<8x100xf32, #tpu.memory_space<vmem>>, %arg11: memref<!tpu.dma_semaphore, #tpu.memory_space<semaphore_mem>>, %arg12: memref<!tpu.dma_semaphore, #tpu.memory_space<semaphore_mem>>) attributes {dimension_semantics = [#tpu.dimension_semantics<core_parallel>, #tpu.dimension_semantics<subcore_parallel>], iteration_bounds = array<i64: 2, 16>, scalar_prefetch = 0 : i64, scratch_operands = 7 : i64, tpu.core_type = #tpu.core_type<sc_vector_subcore>, window_params = [{transform_indices = #map}, {transform_indices = #map1}, {transform_indices = #map1}, {transform_indices = #map1}]} {
    %mul3A = arith.constant 2 : i32
    %mul3A_0 = arith.muli %arg1, %mul3A : i32
    %add3A = arith.addi %mul3A_0, %arg0 : i32
    %mul3A_1 = arith.constant 128 : i32
    %mul3A_2 = arith.muli %add3A, %mul3A_1 : i32
    %iota3A = tpu.iota {dimensions = array<i32: 0>} : vector<16xi32>
    %and3A = arith.constant 3 : i32
    %and3A_3 = vector.broadcast %and3A : i32 to vector<16xi32>
    %and3A_4 = arith.andi %iota3A, %and3A_3 : vector<16xi32>
    %shift_right_arithmetic3A = arith.constant 2 : i32
    %shift_right_arithmetic3A_5 = vector.broadcast %shift_right_arithmetic3A : i32 to vector<16xi32>
    %shift_right_arithmetic3A_6 = arith.shrsi %iota3A, %shift_right_arithmetic3A_5 : vector<16xi32>
    %mul3A_7 = arith.constant 104 : i32
    %mul3A_8 = vector.broadcast %mul3A_7 : i32 to vector<16xi32>
    %mul3A_9 = arith.muli %and3A_4, %mul3A_8 : vector<16xi32>
    %add3A_10 = arith.addi %mul3A_9, %shift_right_arithmetic3A_6 : vector<16xi32>
    %mul3A_11 = arith.constant 104 : i32
    %mul3A_12 = arith.muli %mul3A_2, %mul3A_11 : i32
    "tpu.region"() ({
      %run_scoped3A = tpu.sem_alloc : memref<!tpu.dma_semaphore, #tpu.memory_space<semaphore_mem>>
      %dma_start3A_27 = tpu.memref_slice %arg2[%mul3A_12] : memref<425984xi32, #tpu.memory_space<hbm>> -> memref<13312xi32, #tpu.memory_space<hbm>>
      %dma_start3A_28 = tpu.memref_slice %arg2[%mul3A_12] : memref<425984xi32, #tpu.memory_space<hbm>> -> memref<13312xi32, #tpu.memory_space<hbm>>
      tpu.enqueue_dma source(%dma_start3A_28 : memref<13312xi32, #tpu.memory_space<hbm>>) target(%arg6 : memref<13312xi32, #tpu.memory_space<vmem>>) target_semaphore(%run_scoped3A : memref<!tpu.dma_semaphore, #tpu.memory_space<semaphore_mem>>)
      %dma_wait3A = tpu.memref_slice %arg2[%mul3A_12] : memref<425984xi32, #tpu.memory_space<hbm>> -> memref<13312xi32, #tpu.memory_space<hbm>>
      %dma_wait3A_29 = tpu.memref_slice %arg2[%mul3A_12] : memref<425984xi32, #tpu.memory_space<hbm>> -> memref<13312xi32, #tpu.memory_space<hbm>>
      tpu.wait_dma2 semaphore(%run_scoped3A : memref<!tpu.dma_semaphore, #tpu.memory_space<semaphore_mem>>) src(%dma_wait3A_29 : memref<13312xi32, #tpu.memory_space<hbm>>) dst(%arg6 : memref<13312xi32, #tpu.memory_space<vmem>>)
      tpu.yield
    }) : () -> ()
    %dma_start3A = arith.constant 0 : i32
    %dma_start3A_13 = tpu.memref_slice %arg6[%dma_start3A] : memref<13312xi32, #tpu.memory_space<vmem>> -> memref<416xi32, #tpu.memory_space<vmem>>
    %dma_start3A_14 = arith.constant 0 : i32
    %dma_start3A_15 = arith.constant 0 : i32
    %dma_start3A_16 = tpu.memref_slice %arg4[%dma_start3A_14, %dma_start3A_15] : memref<1000000x128xf32, #tpu.memory_space<hbm>> -> memref<1000000x128xf32, #tpu.memory_space<hbm>>
    tpu.enqueue_indirect_dma source(%dma_start3A_16 : memref<1000000x128xf32, #tpu.memory_space<hbm>>) target(%arg7 : memref<416x128xf32, #tpu.memory_space<vmem>>) offsets(%dma_start3A_13 : memref<416xi32, #tpu.memory_space<vmem>>) semaphore(%arg11 : memref<!tpu.dma_semaphore, #tpu.memory_space<semaphore_mem>>)
    %dma_start3A_17 = arith.constant 416 : i32
    %dma_start3A_18 = tpu.memref_slice %arg6[%dma_start3A_17] : memref<13312xi32, #tpu.memory_space<vmem>> -> memref<416xi32, #tpu.memory_space<vmem>>
    %dma_start3A_19 = arith.constant 0 : i32
    %dma_start3A_20 = arith.constant 0 : i32
    %dma_start3A_21 = tpu.memref_slice %arg4[%dma_start3A_19, %dma_start3A_20] : memref<1000000x128xf32, #tpu.memory_space<hbm>> -> memref<1000000x128xf32, #tpu.memory_space<hbm>>
    tpu.enqueue_indirect_dma source(%dma_start3A_21 : memref<1000000x128xf32, #tpu.memory_space<hbm>>) target(%arg8 : memref<416x128xf32, #tpu.memory_space<vmem>>) offsets(%dma_start3A_18 : memref<416xi32, #tpu.memory_space<vmem>>) semaphore(%arg12 : memref<!tpu.dma_semaphore, #tpu.memory_space<semaphore_mem>>)
    %scan3A = arith.constant 0 : i32
    %scan3A_22 = arith.constant 0 : i32
    %scan3A_23 = arith.constant 16 : i32
    %scan3A_24 = arith.addi %scan3A_22, %scan3A_23 : i32
    %scan3A_25 = arith.constant 1 : i32
    scf.for %scan3A_27 = %scan3A_22 to %scan3A_24 step %scan3A_25  : i32 {
      %mul3A_28 = arith.constant 8 : i32
      %mul3A_29 = arith.muli %scan3A_27, %mul3A_28 : i32
      %add3A_30 = arith.addi %mul3A_2, %mul3A_29 : i32
      "tpu.region"() ({
        %run_scoped3A = tpu.sem_alloc : memref<!tpu.dma_semaphore, #tpu.memory_space<semaphore_mem>>
        %dma_start3A_80 = arith.constant 0 : i32
        %dma_start3A_81 = tpu.memref_slice %arg3[%add3A_30, %dma_start3A_80] : memref<4096x64xf32, #tpu.memory_space<hbm>> -> memref<8x64xf32, #tpu.memory_space<hbm>>
        %dma_start3A_82 = arith.constant 0 : i32
        %dma_start3A_83 = tpu.memref_slice %arg3[%add3A_30, %dma_start3A_82] : memref<4096x64xf32, #tpu.memory_space<hbm>> -> memref<8x64xf32, #tpu.memory_space<hbm>>
        tpu.enqueue_dma source(%dma_start3A_83 : memref<8x64xf32, #tpu.memory_space<hbm>>) target(%arg9 : memref<8x64xf32, #tpu.memory_space<vmem>>) target_semaphore(%run_scoped3A : memref<!tpu.dma_semaphore, #tpu.memory_space<semaphore_mem>>)
        %dma_wait3A_84 = arith.constant 0 : i32
        %dma_wait3A_85 = tpu.memref_slice %arg3[%add3A_30, %dma_wait3A_84] : memref<4096x64xf32, #tpu.memory_space<hbm>> -> memref<8x64xf32, #tpu.memory_space<hbm>>
        %dma_wait3A_86 = arith.constant 0 : i32
        %dma_wait3A_87 = tpu.memref_slice %arg3[%add3A_30, %dma_wait3A_86] : memref<4096x64xf32, #tpu.memory_space<hbm>> -> memref<8x64xf32, #tpu.memory_space<hbm>>
        tpu.wait_dma2 semaphore(%run_scoped3A : memref<!tpu.dma_semaphore, #tpu.memory_space<semaphore_mem>>) src(%dma_wait3A_87 : memref<8x64xf32, #tpu.memory_space<hbm>>) dst(%arg9 : memref<8x64xf32, #tpu.memory_space<vmem>>)
        tpu.yield
      }) : () -> ()
      %mul3A_31 = arith.constant 2 : i32
      %mul3A_32 = arith.muli %mul3A_31, %scan3A_27 : i32
      %add3A_33 = arith.constant 0 : i32
      %add3A_34 = arith.addi %mul3A_32, %add3A_33 : i32
      %dma_wait3A = arith.constant 0 : i32
      %dma_wait3A_35 = tpu.memref_slice %arg6[%dma_wait3A] : memref<13312xi32, #tpu.memory_space<vmem>> -> memref<416xi32, #tpu.memory_space<vmem>>
      %dma_wait3A_36 = arith.constant 0 : i32
      %dma_wait3A_37 = arith.constant 0 : i32
      %dma_wait3A_38 = tpu.memref_slice %arg4[%dma_wait3A_36, %dma_wait3A_37] : memref<1000000x128xf32, #tpu.memory_space<hbm>> -> memref<1000000x128xf32, #tpu.memory_space<hbm>>
      tpu.wait_indirect_dma semaphore(%arg11 : memref<!tpu.dma_semaphore, #tpu.memory_space<semaphore_mem>>) src(%dma_wait3A_38 : memref<1000000x128xf32, #tpu.memory_space<hbm>>) dst(%arg7 : memref<416x128xf32, #tpu.memory_space<vmem>>)
      %add3A_39 = arith.constant 0 : i32
      %add3A_40 = vector.broadcast %add3A_39 : i32 to vector<16xi32>
      %add3A_41 = arith.addi %add3A_40, %and3A_4 : vector<16xi32>
      %scan3A_42 = arith.constant 0 : i32
      %scan3A_43 = arith.constant 0 : i32
      %scan3A_44 = arith.constant 5 : i32
      %scan3A_45 = arith.addi %scan3A_43, %scan3A_44 : i32
      %scan3A_46 = arith.constant 1 : i32
      scf.for %scan3A_80 = %scan3A_43 to %scan3A_45 step %scan3A_46  : i32 {
        %mul3A_81 = arith.constant 20 : i32
        %mul3A_82 = arith.muli %mul3A_81, %scan3A_80 : i32
        %add3A_83 = vector.broadcast %mul3A_82 : i32 to vector<16xi32>
        %add3A_84 = arith.addi %add3A_10, %add3A_83 : vector<16xi32>
        %broadcast_in_dim3A = arith.constant 0.000000e+00 : f32
        %broadcast_in_dim3A_85 = vector.broadcast %broadcast_in_dim3A : f32 to vector<16xf32>
        %broadcast_in_dim3A_86 = arith.constant 0.000000e+00 : f32
        %broadcast_in_dim3A_87 = vector.broadcast %broadcast_in_dim3A_86 : f32 to vector<16xf32>
        %broadcast_in_dim3A_88 = arith.constant 0.000000e+00 : f32
        %broadcast_in_dim3A_89 = vector.broadcast %broadcast_in_dim3A_88 : f32 to vector<16xf32>
        %broadcast_in_dim3A_90 = arith.constant 0.000000e+00 : f32
        %broadcast_in_dim3A_91 = vector.broadcast %broadcast_in_dim3A_90 : f32 to vector<16xf32>
        %broadcast_in_dim3A_92 = arith.constant 0.000000e+00 : f32
        %broadcast_in_dim3A_93 = vector.broadcast %broadcast_in_dim3A_92 : f32 to vector<16xf32>
        %scan3A_94 = arith.constant 0 : i32
        %scan3A_95 = arith.constant 64 : i32
        %scan3A_96 = arith.addi %scan3A_94, %scan3A_95 : i32
        %scan3A_97 = arith.constant 1 : i32
        %scan3A_98:5 = scf.for %scan3A_119 = %scan3A_94 to %scan3A_96 step %scan3A_97 iter_args(%scan3A_120 = %broadcast_in_dim3A_85, %scan3A_121 = %broadcast_in_dim3A_87, %scan3A_122 = %broadcast_in_dim3A_89, %scan3A_123 = %broadcast_in_dim3A_91, %scan3A_124 = %broadcast_in_dim3A_93) -> (vector<16xf32>, vector<16xf32>, vector<16xf32>, vector<16xf32>, vector<16xf32>)  : i32 {
          %broadcast_in_dim3A_125 = vector.broadcast %scan3A_119 : i32 to vector<16xi32>
          %gather3A = tpu.vector_load_idx %arg9[%add3A_41, %broadcast_in_dim3A_125] : memref<8x64xf32, #tpu.memory_space<vmem>>[vector<16xi32>, vector<16xi32>], vector<16xf32>,
          %add3A_126 = arith.constant 0 : i32
          %add3A_127 = vector.broadcast %add3A_126 : i32 to vector<16xi32>
          %add3A_128 = arith.addi %add3A_84, %add3A_127 : vector<16xi32>
          %gather3A_129 = tpu.vector_load_idx %arg7[%add3A_128, %broadcast_in_dim3A_125] : memref<416x128xf32, #tpu.memory_space<vmem>>[vector<16xi32>, vector<16xi32>], vector<16xf32>,
          %mul3A_130 = arith.mulf %gather3A, %gather3A_129 : vector<16xf32>
          %add3A_131 = arith.addf %scan3A_120, %mul3A_130 : vector<16xf32>
          %add3A_132 = arith.constant 4 : i32
          %add3A_133 = vector.broadcast %add3A_132 : i32 to vector<16xi32>
          %add3A_134 = arith.addi %add3A_84, %add3A_133 : vector<16xi32>
          %gather3A_135 = tpu.vector_load_idx %arg7[%add3A_134, %broadcast_in_dim3A_125] : memref<416x128xf32, #tpu.memory_space<vmem>>[vector<16xi32>, vector<16xi32>], vector<16xf32>,
          %mul3A_136 = arith.mulf %gather3A, %gather3A_135 : vector<16xf32>
          %add3A_137 = arith.addf %scan3A_121, %mul3A_136 : vector<16xf32>
          %add3A_138 = arith.constant 8 : i32
          %add3A_139 = vector.broadcast %add3A_138 : i32 to vector<16xi32>
          %add3A_140 = arith.addi %add3A_84, %add3A_139 : vector<16xi32>
          %gather3A_141 = tpu.vector_load_idx %arg7[%add3A_140, %broadcast_in_dim3A_125] : memref<416x128xf32, #tpu.memory_space<vmem>>[vector<16xi32>, vector<16xi32>], vector<16xf32>,
          %mul3A_142 = arith.mulf %gather3A, %gather3A_141 : vector<16xf32>
          %add3A_143 = arith.addf %scan3A_122, %mul3A_142 : vector<16xf32>
          %add3A_144 = arith.constant 12 : i32
          %add3A_145 = vector.broadcast %add3A_144 : i32 to vector<16xi32>
          %add3A_146 = arith.addi %add3A_84, %add3A_145 : vector<16xi32>
          %gather3A_147 = tpu.vector_load_idx %arg7[%add3A_146, %broadcast_in_dim3A_125] : memref<416x128xf32, #tpu.memory_space<vmem>>[vector<16xi32>, vector<16xi32>], vector<16xf32>,
          %mul3A_148 = arith.mulf %gather3A, %gather3A_147 : vector<16xf32>
          %add3A_149 = arith.addf %scan3A_123, %mul3A_148 : vector<16xf32>
          %add3A_150 = arith.constant 16 : i32
          %add3A_151 = vector.broadcast %add3A_150 : i32 to vector<16xi32>
          %add3A_152 = arith.addi %add3A_84, %add3A_151 : vector<16xi32>
          %gather3A_153 = tpu.vector_load_idx %arg7[%add3A_152, %broadcast_in_dim3A_125] : memref<416x128xf32, #tpu.memory_space<vmem>>[vector<16xi32>, vector<16xi32>], vector<16xf32>,
          %mul3A_154 = arith.mulf %gather3A, %gather3A_153 : vector<16xf32>
          %add3A_155 = arith.addf %scan3A_124, %mul3A_154 : vector<16xf32>
          scf.yield %add3A_131, %add3A_137, %add3A_143, %add3A_149, %add3A_155 : vector<16xf32>, vector<16xf32>, vector<16xf32>, vector<16xf32>, vector<16xf32>
        }
        %scan3A_99 = arith.constant 64 : i32
        %mul3A_100 = arith.constant 20 : i32
        %mul3A_101 = arith.muli %mul3A_100, %scan3A_80 : i32
        %add3A_102 = vector.broadcast %mul3A_101 : i32 to vector<16xi32>
        %add3A_103 = arith.addi %shift_right_arithmetic3A_6, %add3A_102 : vector<16xi32>
        %add3A_104 = arith.constant 0 : i32
        %add3A_105 = vector.broadcast %add3A_104 : i32 to vector<16xi32>
        %add3A_106 = arith.addi %add3A_103, %add3A_105 : vector<16xi32>
        tpu.vector_store_idx %arg10[%add3A_41, %add3A_106], %scan3A_98#0 : memref<8x100xf32, #tpu.memory_space<vmem>>[vector<16xi32>, vector<16xi32>], vector<16xf32>,
        %add3A_107 = arith.constant 4 : i32
        %add3A_108 = vector.broadcast %add3A_107 : i32 to vector<16xi32>
        %add3A_109 = arith.addi %add3A_103, %add3A_108 : vector<16xi32>
        tpu.vector_store_idx %arg10[%add3A_41, %add3A_109], %scan3A_98#1 : memref<8x100xf32, #tpu.memory_space<vmem>>[vector<16xi32>, vector<16xi32>], vector<16xf32>,
        %add3A_110 = arith.constant 8 : i32
        %add3A_111 = vector.broadcast %add3A_110 : i32 to vector<16xi32>
        %add3A_112 = arith.addi %add3A_103, %add3A_111 : vector<16xi32>
        tpu.vector_store_idx %arg10[%add3A_41, %add3A_112], %scan3A_98#2 : memref<8x100xf32, #tpu.memory_space<vmem>>[vector<16xi32>, vector<16xi32>], vector<16xf32>,
        %add3A_113 = arith.constant 12 : i32
        %add3A_114 = vector.broadcast %add3A_113 : i32 to vector<16xi32>
        %add3A_115 = arith.addi %add3A_103, %add3A_114 : vector<16xi32>
        tpu.vector_store_idx %arg10[%add3A_41, %add3A_115], %scan3A_98#3 : memref<8x100xf32, #tpu.memory_space<vmem>>[vector<16xi32>, vector<16xi32>], vector<16xf32>,
        %add3A_116 = arith.constant 16 : i32
        %add3A_117 = vector.broadcast %add3A_116 : i32 to vector<16xi32>
        %add3A_118 = arith.addi %add3A_103, %add3A_117 : vector<16xi32>
        tpu.vector_store_idx %arg10[%add3A_41, %add3A_118], %scan3A_98#4 : memref<8x100xf32, #tpu.memory_space<vmem>>[vector<16xi32>, vector<16xi32>], vector<16xf32>,
      }
      %scan3A_47 = arith.constant 5 : i32
      %add3A_48 = arith.constant 2 : i32
      %add3A_49 = arith.addi %add3A_34, %add3A_48 : i32
      %lt3A = arith.constant 32 : i32
      %lt3A_50 = arith.cmpi slt, %add3A_49, %lt3A : i32
      %convert_element_type3A = arith.extui %lt3A_50 : i1 to i32
      %cond3A = arith.constant 0 : i32
      %cond3A_51 = arith.cmpi ne, %convert_element_type3A, %cond3A : i32
      scf.if %cond3A_51 {
        %add3A_80 = arith.constant 2 : i32
        %add3A_81 = arith.addi %add3A_34, %add3A_80 : i32
        %mul3A_82 = arith.constant 4 : i32
        %mul3A_83 = arith.muli %add3A_81, %mul3A_82 : i32
        %mul3A_84 = arith.constant 104 : i32
        %mul3A_85 = arith.muli %mul3A_83, %mul3A_84 : i32
        %dma_start3A_86 = tpu.memref_slice %arg6[%mul3A_85] : memref<13312xi32, #tpu.memory_space<vmem>> -> memref<416xi32, #tpu.memory_space<vmem>>
        %dma_start3A_87 = arith.constant 0 : i32
        %dma_start3A_88 = arith.constant 0 : i32
        %dma_start3A_89 = tpu.memref_slice %arg4[%dma_start3A_87, %dma_start3A_88] : memref<1000000x128xf32, #tpu.memory_space<hbm>> -> memref<1000000x128xf32, #tpu.memory_space<hbm>>
        tpu.enqueue_indirect_dma source(%dma_start3A_89 : memref<1000000x128xf32, #tpu.memory_space<hbm>>) target(%arg7 : memref<416x128xf32, #tpu.memory_space<vmem>>) offsets(%dma_start3A_86 : memref<416xi32, #tpu.memory_space<vmem>>) semaphore(%arg11 : memref<!tpu.dma_semaphore, #tpu.memory_space<semaphore_mem>>)
      } else {
      }
      %mul3A_52 = arith.constant 2 : i32
      %mul3A_53 = arith.muli %mul3A_52, %scan3A_27 : i32
      %add3A_54 = arith.constant 1 : i32
      %add3A_55 = arith.addi %mul3A_53, %add3A_54 : i32
      %dma_wait3A_56 = arith.constant 0 : i32
      %dma_wait3A_57 = tpu.memref_slice %arg6[%dma_wait3A_56] : memref<13312xi32, #tpu.memory_space<vmem>> -> memref<416xi32, #tpu.memory_space<vmem>>
      %dma_wait3A_58 = arith.constant 0 : i32
      %dma_wait3A_59 = arith.constant 0 : i32
      %dma_wait3A_60 = tpu.memref_slice %arg4[%dma_wait3A_58, %dma_wait3A_59] : memref<1000000x128xf32, #tpu.memory_space<hbm>> -> memref<1000000x128xf32, #tpu.memory_space<hbm>>
      tpu.wait_indirect_dma semaphore(%arg12 : memref<!tpu.dma_semaphore, #tpu.memory_space<semaphore_mem>>) src(%dma_wait3A_60 : memref<1000000x128xf32, #tpu.memory_space<hbm>>) dst(%arg8 : memref<416x128xf32, #tpu.memory_space<vmem>>)
      %add3A_61 = arith.constant 4 : i32
      %add3A_62 = vector.broadcast %add3A_61 : i32 to vector<16xi32>
      %add3A_63 = arith.addi %add3A_62, %and3A_4 : vector<16xi32>
      %scan3A_64 = arith.constant 0 : i32
      %scan3A_65 = arith.constant 0 : i32
      %scan3A_66 = arith.constant 5 : i32
      %scan3A_67 = arith.addi %scan3A_65, %scan3A_66 : i32
      %scan3A_68 = arith.constant 1 : i32
      scf.for %scan3A_80 = %scan3A_65 to %scan3A_67 step %scan3A_68  : i32 {
        %mul3A_81 = arith.constant 20 : i32
        %mul3A_82 = arith.muli %mul3A_81, %scan3A_80 : i32
        %add3A_83 = vector.broadcast %mul3A_82 : i32 to vector<16xi32>
        %add3A_84 = arith.addi %add3A_10, %add3A_83 : vector<16xi32>
        %broadcast_in_dim3A = arith.constant 0.000000e+00 : f32
        %broadcast_in_dim3A_85 = vector.broadcast %broadcast_in_dim3A : f32 to vector<16xf32>
        %broadcast_in_dim3A_86 = arith.constant 0.000000e+00 : f32
        %broadcast_in_dim3A_87 = vector.broadcast %broadcast_in_dim3A_86 : f32 to vector<16xf32>
        %broadcast_in_dim3A_88 = arith.constant 0.000000e+00 : f32
        %broadcast_in_dim3A_89 = vector.broadcast %broadcast_in_dim3A_88 : f32 to vector<16xf32>
        %broadcast_in_dim3A_90 = arith.constant 0.000000e+00 : f32
        %broadcast_in_dim3A_91 = vector.broadcast %broadcast_in_dim3A_90 : f32 to vector<16xf32>
        %broadcast_in_dim3A_92 = arith.constant 0.000000e+00 : f32
        %broadcast_in_dim3A_93 = vector.broadcast %broadcast_in_dim3A_92 : f32 to vector<16xf32>
        %scan3A_94 = arith.constant 0 : i32
        %scan3A_95 = arith.constant 64 : i32
        %scan3A_96 = arith.addi %scan3A_94, %scan3A_95 : i32
        %scan3A_97 = arith.constant 1 : i32
        %scan3A_98:5 = scf.for %scan3A_119 = %scan3A_94 to %scan3A_96 step %scan3A_97 iter_args(%scan3A_120 = %broadcast_in_dim3A_85, %scan3A_121 = %broadcast_in_dim3A_87, %scan3A_122 = %broadcast_in_dim3A_89, %scan3A_123 = %broadcast_in_dim3A_91, %scan3A_124 = %broadcast_in_dim3A_93) -> (vector<16xf32>, vector<16xf32>, vector<16xf32>, vector<16xf32>, vector<16xf32>)  : i32 {
          %broadcast_in_dim3A_125 = vector.broadcast %scan3A_119 : i32 to vector<16xi32>
          %gather3A = tpu.vector_load_idx %arg9[%add3A_63, %broadcast_in_dim3A_125] : memref<8x64xf32, #tpu.memory_space<vmem>>[vector<16xi32>, vector<16xi32>], vector<16xf32>,
          %add3A_126 = arith.constant 0 : i32
          %add3A_127 = vector.broadcast %add3A_126 : i32 to vector<16xi32>
          %add3A_128 = arith.addi %add3A_84, %add3A_127 : vector<16xi32>
          %gather3A_129 = tpu.vector_load_idx %arg8[%add3A_128, %broadcast_in_dim3A_125] : memref<416x128xf32, #tpu.memory_space<vmem>>[vector<16xi32>, vector<16xi32>], vector<16xf32>,
          %mul3A_130 = arith.mulf %gather3A, %gather3A_129 : vector<16xf32>
          %add3A_131 = arith.addf %scan3A_120, %mul3A_130 : vector<16xf32>
          %add3A_132 = arith.constant 4 : i32
          %add3A_133 = vector.broadcast %add3A_132 : i32 to vector<16xi32>
          %add3A_134 = arith.addi %add3A_84, %add3A_133 : vector<16xi32>
          %gather3A_135 = tpu.vector_load_idx %arg8[%add3A_134, %broadcast_in_dim3A_125] : memref<416x128xf32, #tpu.memory_space<vmem>>[vector<16xi32>, vector<16xi32>], vector<16xf32>,
          %mul3A_136 = arith.mulf %gather3A, %gather3A_135 : vector<16xf32>
          %add3A_137 = arith.addf %scan3A_121, %mul3A_136 : vector<16xf32>
          %add3A_138 = arith.constant 8 : i32
          %add3A_139 = vector.broadcast %add3A_138 : i32 to vector<16xi32>
          %add3A_140 = arith.addi %add3A_84, %add3A_139 : vector<16xi32>
          %gather3A_141 = tpu.vector_load_idx %arg8[%add3A_140, %broadcast_in_dim3A_125] : memref<416x128xf32, #tpu.memory_space<vmem>>[vector<16xi32>, vector<16xi32>], vector<16xf32>,
          %mul3A_142 = arith.mulf %gather3A, %gather3A_141 : vector<16xf32>
          %add3A_143 = arith.addf %scan3A_122, %mul3A_142 : vector<16xf32>
          %add3A_144 = arith.constant 12 : i32
          %add3A_145 = vector.broadcast %add3A_144 : i32 to vector<16xi32>
          %add3A_146 = arith.addi %add3A_84, %add3A_145 : vector<16xi32>
          %gather3A_147 = tpu.vector_load_idx %arg8[%add3A_146, %broadcast_in_dim3A_125] : memref<416x128xf32, #tpu.memory_space<vmem>>[vector<16xi32>, vector<16xi32>], vector<16xf32>,
          %mul3A_148 = arith.mulf %gather3A, %gather3A_147 : vector<16xf32>
          %add3A_149 = arith.addf %scan3A_123, %mul3A_148 : vector<16xf32>
          %add3A_150 = arith.constant 16 : i32
          %add3A_151 = vector.broadcast %add3A_150 : i32 to vector<16xi32>
          %add3A_152 = arith.addi %add3A_84, %add3A_151 : vector<16xi32>
          %gather3A_153 = tpu.vector_load_idx %arg8[%add3A_152, %broadcast_in_dim3A_125] : memref<416x128xf32, #tpu.memory_space<vmem>>[vector<16xi32>, vector<16xi32>], vector<16xf32>,
          %mul3A_154 = arith.mulf %gather3A, %gather3A_153 : vector<16xf32>
          %add3A_155 = arith.addf %scan3A_124, %mul3A_154 : vector<16xf32>
          scf.yield %add3A_131, %add3A_137, %add3A_143, %add3A_149, %add3A_155 : vector<16xf32>, vector<16xf32>, vector<16xf32>, vector<16xf32>, vector<16xf32>
        }
        %scan3A_99 = arith.constant 64 : i32
        %mul3A_100 = arith.constant 20 : i32
        %mul3A_101 = arith.muli %mul3A_100, %scan3A_80 : i32
        %add3A_102 = vector.broadcast %mul3A_101 : i32 to vector<16xi32>
        %add3A_103 = arith.addi %shift_right_arithmetic3A_6, %add3A_102 : vector<16xi32>
        %add3A_104 = arith.constant 0 : i32
        %add3A_105 = vector.broadcast %add3A_104 : i32 to vector<16xi32>
        %add3A_106 = arith.addi %add3A_103, %add3A_105 : vector<16xi32>
        tpu.vector_store_idx %arg10[%add3A_63, %add3A_106], %scan3A_98#0 : memref<8x100xf32, #tpu.memory_space<vmem>>[vector<16xi32>, vector<16xi32>], vector<16xf32>,
        %add3A_107 = arith.constant 4 : i32
        %add3A_108 = vector.broadcast %add3A_107 : i32 to vector<16xi32>
        %add3A_109 = arith.addi %add3A_103, %add3A_108 : vector<16xi32>
        tpu.vector_store_idx %arg10[%add3A_63, %add3A_109], %scan3A_98#1 : memref<8x100xf32, #tpu.memory_space<vmem>>[vector<16xi32>, vector<16xi32>], vector<16xf32>,
        %add3A_110 = arith.constant 8 : i32
        %add3A_111 = vector.broadcast %add3A_110 : i32 to vector<16xi32>
        %add3A_112 = arith.addi %add3A_103, %add3A_111 : vector<16xi32>
        tpu.vector_store_idx %arg10[%add3A_63, %add3A_112], %scan3A_98#2 : memref<8x100xf32, #tpu.memory_space<vmem>>[vector<16xi32>, vector<16xi32>], vector<16xf32>,
        %add3A_113 = arith.constant 12 : i32
        %add3A_114 = vector.broadcast %add3A_113 : i32 to vector<16xi32>
        %add3A_115 = arith.addi %add3A_103, %add3A_114 : vector<16xi32>
        tpu.vector_store_idx %arg10[%add3A_63, %add3A_115], %scan3A_98#3 : memref<8x100xf32, #tpu.memory_space<vmem>>[vector<16xi32>, vector<16xi32>], vector<16xf32>,
        %add3A_116 = arith.constant 16 : i32
        %add3A_117 = vector.broadcast %add3A_116 : i32 to vector<16xi32>
        %add3A_118 = arith.addi %add3A_103, %add3A_117 : vector<16xi32>
        tpu.vector_store_idx %arg10[%add3A_63, %add3A_118], %scan3A_98#4 : memref<8x100xf32, #tpu.memory_space<vmem>>[vector<16xi32>, vector<16xi32>], vector<16xf32>,
      }
      %scan3A_69 = arith.constant 5 : i32
      %add3A_70 = arith.constant 2 : i32
      %add3A_71 = arith.addi %add3A_55, %add3A_70 : i32
      %lt3A_72 = arith.constant 32 : i32
      %lt3A_73 = arith.cmpi slt, %add3A_71, %lt3A_72 : i32
      %convert_element_type3A_74 = arith.extui %lt3A_73 : i1 to i32
      %cond3A_75 = arith.constant 0 : i32
      %cond3A_76 = arith.cmpi ne, %convert_element_type3A_74, %cond3A_75 : i32
      scf.if %cond3A_76 {
        %add3A_80 = arith.constant 2 : i32
        %add3A_81 = arith.addi %add3A_55, %add3A_80 : i32
        %mul3A_82 = arith.constant 4 : i32
        %mul3A_83 = arith.muli %add3A_81, %mul3A_82 : i32
        %mul3A_84 = arith.constant 104 : i32
        %mul3A_85 = arith.muli %mul3A_83, %mul3A_84 : i32
        %dma_start3A_86 = tpu.memref_slice %arg6[%mul3A_85] : memref<13312xi32, #tpu.memory_space<vmem>> -> memref<416xi32, #tpu.memory_space<vmem>>
        %dma_start3A_87 = arith.constant 0 : i32
        %dma_start3A_88 = arith.constant 0 : i32
        %dma_start3A_89 = tpu.memref_slice %arg4[%dma_start3A_87, %dma_start3A_88] : memref<1000000x128xf32, #tpu.memory_space<hbm>> -> memref<1000000x128xf32, #tpu.memory_space<hbm>>
        tpu.enqueue_indirect_dma source(%dma_start3A_89 : memref<1000000x128xf32, #tpu.memory_space<hbm>>) target(%arg8 : memref<416x128xf32, #tpu.memory_space<vmem>>) offsets(%dma_start3A_86 : memref<416xi32, #tpu.memory_space<vmem>>) semaphore(%arg12 : memref<!tpu.dma_semaphore, #tpu.memory_space<semaphore_mem>>)
      } else {
      }
      %mul3A_77 = arith.constant 8 : i32
      %mul3A_78 = arith.muli %scan3A_27, %mul3A_77 : i32
      %add3A_79 = arith.addi %mul3A_2, %mul3A_78 : i32
      "tpu.region"() ({
        %run_scoped3A = tpu.sem_alloc : memref<!tpu.dma_semaphore, #tpu.memory_space<semaphore_mem>>
        %dma_start3A_80 = arith.constant 0 : i32
        %dma_start3A_81 = tpu.memref_slice %arg5[%add3A_79, %dma_start3A_80] : memref<4096x100xf32, #tpu.memory_space<hbm>> -> memref<8x100xf32, #tpu.memory_space<hbm>>
        %dma_start3A_82 = arith.constant 0 : i32
        %dma_start3A_83 = tpu.memref_slice %arg5[%add3A_79, %dma_start3A_82] : memref<4096x100xf32, #tpu.memory_space<hbm>> -> memref<8x100xf32, #tpu.memory_space<hbm>>
        tpu.enqueue_dma source(%arg10 : memref<8x100xf32, #tpu.memory_space<vmem>>) target(%dma_start3A_83 : memref<8x100xf32, #tpu.memory_space<hbm>>) target_semaphore(%run_scoped3A : memref<!tpu.dma_semaphore, #tpu.memory_space<semaphore_mem>>)
        %dma_wait3A_84 = arith.constant 0 : i32
        %dma_wait3A_85 = tpu.memref_slice %arg5[%add3A_79, %dma_wait3A_84] : memref<4096x100xf32, #tpu.memory_space<hbm>> -> memref<8x100xf32, #tpu.memory_space<hbm>>
        %dma_wait3A_86 = arith.constant 0 : i32
        %dma_wait3A_87 = tpu.memref_slice %arg5[%add3A_79, %dma_wait3A_86] : memref<4096x100xf32, #tpu.memory_space<hbm>> -> memref<8x100xf32, #tpu.memory_space<hbm>>
        tpu.wait_dma2 semaphore(%run_scoped3A : memref<!tpu.dma_semaphore, #tpu.memory_space<semaphore_mem>>) src(%arg10 : memref<8x100xf32, #tpu.memory_space<vmem>>) dst(%dma_wait3A_87 : memref<8x100xf32, #tpu.memory_space<hbm>>)
        tpu.yield
      }) : () -> ()
    }
    %scan3A_26 = arith.constant 16 : i32
    return
  }
}

module attributes {stable_mosaic.version = 14 : i64} {
  func.func @_emb_body(%arg0: memref<4096x20xi32, #tpu.memory_space<vmem>>, %arg1: memref<4096x100xi32, #tpu.memory_space<vmem>>, %arg2: memref<12x64xf32, #tpu.memory_space<vmem>>, %arg3: memref<4096x64xf32, #tpu.memory_space<vmem>>, %arg4: memref<4096x104xi32, #tpu.memory_space<vmem>>) attributes {dimension_semantics = [], scalar_prefetch = 0 : i64, scratch_operands = 0 : i64, tpu.core_type = #tpu.core_type<tc>} {
    %get3A = arith.constant 0 : index
    %get3A_0 = arith.constant 0 : index
    %get3A_1 = vector.load %arg0[%get3A, %get3A_0] : memref<4096x20xi32, #tpu.memory_space<vmem>>, vector<4096x20xi32>
    %broadcast_in_dim3A = arith.constant 0.000000e+00 : f32
    %broadcast_in_dim3A_2 = vector.broadcast %broadcast_in_dim3A : f32 to vector<4096x64xf32>
    %eq3A = arith.constant 0 : i32
    %eq3A_3 = vector.broadcast %eq3A : i32 to vector<4096x20xi32>
    %eq3A_4 = arith.cmpi eq, %get3A_1, %eq3A_3 : vector<4096x20xi32>
    %convert_element_type3A = arith.extui %eq3A_4 : vector<4096x20xi1> to vector<4096x20xi32>
    %convert_element_type3A_5 = arith.sitofp %convert_element_type3A : vector<4096x20xi32> to vector<4096x20xf32>
    %reduce_sum3A = arith.constant dense<0.000000e+00> : vector<4096xf32>
    %reduce_sum3A_6 = vector.multi_reduction <add>, %convert_element_type3A_5, %reduce_sum3A [1] : vector<4096x20xf32> to vector<4096xf32>
    %broadcast_in_dim3A_7 = vector.shape_cast %reduce_sum3A_6 : vector<4096xf32> to vector<4096x1xf32>
    %get3A_8 = arith.constant 0 : index
    %get3A_9 = arith.constant 0 : index
    %get3A_10 = vector.load %arg2[%get3A_8, %get3A_9] : memref<12x64xf32, #tpu.memory_space<vmem>>, vector<1x64xf32>
    %get3A_11 = vector.shape_cast %get3A_10 : vector<1x64xf32> to vector<64xf32>
    %broadcast_in_dim3A_12 = vector.shape_cast %get3A_11 : vector<64xf32> to vector<1x64xf32>
    %mul3A = vector.broadcast %broadcast_in_dim3A_7 : vector<4096x1xf32> to vector<4096x64xf32>
    %mul3A_13 = vector.broadcast %broadcast_in_dim3A_12 : vector<1x64xf32> to vector<4096x64xf32>
    %mul3A_14 = arith.mulf %mul3A, %mul3A_13 : vector<4096x64xf32>
    %add3A = arith.addf %broadcast_in_dim3A_2, %mul3A_14 : vector<4096x64xf32>
    %eq3A_15 = arith.constant 1 : i32
    %eq3A_16 = vector.broadcast %eq3A_15 : i32 to vector<4096x20xi32>
    %eq3A_17 = arith.cmpi eq, %get3A_1, %eq3A_16 : vector<4096x20xi32>
    %convert_element_type3A_18 = arith.extui %eq3A_17 : vector<4096x20xi1> to vector<4096x20xi32>
    %convert_element_type3A_19 = arith.sitofp %convert_element_type3A_18 : vector<4096x20xi32> to vector<4096x20xf32>
    %reduce_sum3A_20 = arith.constant dense<0.000000e+00> : vector<4096xf32>
    %reduce_sum3A_21 = vector.multi_reduction <add>, %convert_element_type3A_19, %reduce_sum3A_20 [1] : vector<4096x20xf32> to vector<4096xf32>
    %broadcast_in_dim3A_22 = vector.shape_cast %reduce_sum3A_21 : vector<4096xf32> to vector<4096x1xf32>
    %get3A_23 = arith.constant 1 : index
    %get3A_24 = arith.constant 0 : index
    %get3A_25 = vector.load %arg2[%get3A_23, %get3A_24] : memref<12x64xf32, #tpu.memory_space<vmem>>, vector<1x64xf32>
    %get3A_26 = vector.shape_cast %get3A_25 : vector<1x64xf32> to vector<64xf32>
    %broadcast_in_dim3A_27 = vector.shape_cast %get3A_26 : vector<64xf32> to vector<1x64xf32>
    %mul3A_28 = vector.broadcast %broadcast_in_dim3A_22 : vector<4096x1xf32> to vector<4096x64xf32>
    %mul3A_29 = vector.broadcast %broadcast_in_dim3A_27 : vector<1x64xf32> to vector<4096x64xf32>
    %mul3A_30 = arith.mulf %mul3A_28, %mul3A_29 : vector<4096x64xf32>
    %add3A_31 = arith.addf %add3A, %mul3A_30 : vector<4096x64xf32>
    %eq3A_32 = arith.constant 2 : i32
    %eq3A_33 = vector.broadcast %eq3A_32 : i32 to vector<4096x20xi32>
    %eq3A_34 = arith.cmpi eq, %get3A_1, %eq3A_33 : vector<4096x20xi32>
    %convert_element_type3A_35 = arith.extui %eq3A_34 : vector<4096x20xi1> to vector<4096x20xi32>
    %convert_element_type3A_36 = arith.sitofp %convert_element_type3A_35 : vector<4096x20xi32> to vector<4096x20xf32>
    %reduce_sum3A_37 = arith.constant dense<0.000000e+00> : vector<4096xf32>
    %reduce_sum3A_38 = vector.multi_reduction <add>, %convert_element_type3A_36, %reduce_sum3A_37 [1] : vector<4096x20xf32> to vector<4096xf32>
    %broadcast_in_dim3A_39 = vector.shape_cast %reduce_sum3A_38 : vector<4096xf32> to vector<4096x1xf32>
    %get3A_40 = arith.constant 2 : index
    %get3A_41 = arith.constant 0 : index
    %get3A_42 = vector.load %arg2[%get3A_40, %get3A_41] : memref<12x64xf32, #tpu.memory_space<vmem>>, vector<1x64xf32>
    %get3A_43 = vector.shape_cast %get3A_42 : vector<1x64xf32> to vector<64xf32>
    %broadcast_in_dim3A_44 = vector.shape_cast %get3A_43 : vector<64xf32> to vector<1x64xf32>
    %mul3A_45 = vector.broadcast %broadcast_in_dim3A_39 : vector<4096x1xf32> to vector<4096x64xf32>
    %mul3A_46 = vector.broadcast %broadcast_in_dim3A_44 : vector<1x64xf32> to vector<4096x64xf32>
    %mul3A_47 = arith.mulf %mul3A_45, %mul3A_46 : vector<4096x64xf32>
    %add3A_48 = arith.addf %add3A_31, %mul3A_47 : vector<4096x64xf32>
    %eq3A_49 = arith.constant 3 : i32
    %eq3A_50 = vector.broadcast %eq3A_49 : i32 to vector<4096x20xi32>
    %eq3A_51 = arith.cmpi eq, %get3A_1, %eq3A_50 : vector<4096x20xi32>
    %convert_element_type3A_52 = arith.extui %eq3A_51 : vector<4096x20xi1> to vector<4096x20xi32>
    %convert_element_type3A_53 = arith.sitofp %convert_element_type3A_52 : vector<4096x20xi32> to vector<4096x20xf32>
    %reduce_sum3A_54 = arith.constant dense<0.000000e+00> : vector<4096xf32>
    %reduce_sum3A_55 = vector.multi_reduction <add>, %convert_element_type3A_53, %reduce_sum3A_54 [1] : vector<4096x20xf32> to vector<4096xf32>
    %broadcast_in_dim3A_56 = vector.shape_cast %reduce_sum3A_55 : vector<4096xf32> to vector<4096x1xf32>
    %get3A_57 = arith.constant 3 : index
    %get3A_58 = arith.constant 0 : index
    %get3A_59 = vector.load %arg2[%get3A_57, %get3A_58] : memref<12x64xf32, #tpu.memory_space<vmem>>, vector<1x64xf32>
    %get3A_60 = vector.shape_cast %get3A_59 : vector<1x64xf32> to vector<64xf32>
    %broadcast_in_dim3A_61 = vector.shape_cast %get3A_60 : vector<64xf32> to vector<1x64xf32>
    %mul3A_62 = vector.broadcast %broadcast_in_dim3A_56 : vector<4096x1xf32> to vector<4096x64xf32>
    %mul3A_63 = vector.broadcast %broadcast_in_dim3A_61 : vector<1x64xf32> to vector<4096x64xf32>
    %mul3A_64 = arith.mulf %mul3A_62, %mul3A_63 : vector<4096x64xf32>
    %add3A_65 = arith.addf %add3A_48, %mul3A_64 : vector<4096x64xf32>
    %eq3A_66 = arith.constant 4 : i32
    %eq3A_67 = vector.broadcast %eq3A_66 : i32 to vector<4096x20xi32>
    %eq3A_68 = arith.cmpi eq, %get3A_1, %eq3A_67 : vector<4096x20xi32>
    %convert_element_type3A_69 = arith.extui %eq3A_68 : vector<4096x20xi1> to vector<4096x20xi32>
    %convert_element_type3A_70 = arith.sitofp %convert_element_type3A_69 : vector<4096x20xi32> to vector<4096x20xf32>
    %reduce_sum3A_71 = arith.constant dense<0.000000e+00> : vector<4096xf32>
    %reduce_sum3A_72 = vector.multi_reduction <add>, %convert_element_type3A_70, %reduce_sum3A_71 [1] : vector<4096x20xf32> to vector<4096xf32>
    %broadcast_in_dim3A_73 = vector.shape_cast %reduce_sum3A_72 : vector<4096xf32> to vector<4096x1xf32>
    %get3A_74 = arith.constant 4 : index
    %get3A_75 = arith.constant 0 : index
    %get3A_76 = vector.load %arg2[%get3A_74, %get3A_75] : memref<12x64xf32, #tpu.memory_space<vmem>>, vector<1x64xf32>
    %get3A_77 = vector.shape_cast %get3A_76 : vector<1x64xf32> to vector<64xf32>
    %broadcast_in_dim3A_78 = vector.shape_cast %get3A_77 : vector<64xf32> to vector<1x64xf32>
    %mul3A_79 = vector.broadcast %broadcast_in_dim3A_73 : vector<4096x1xf32> to vector<4096x64xf32>
    %mul3A_80 = vector.broadcast %broadcast_in_dim3A_78 : vector<1x64xf32> to vector<4096x64xf32>
    %mul3A_81 = arith.mulf %mul3A_79, %mul3A_80 : vector<4096x64xf32>
    %add3A_82 = arith.addf %add3A_65, %mul3A_81 : vector<4096x64xf32>
    %eq3A_83 = arith.constant 5 : i32
    %eq3A_84 = vector.broadcast %eq3A_83 : i32 to vector<4096x20xi32>
    %eq3A_85 = arith.cmpi eq, %get3A_1, %eq3A_84 : vector<4096x20xi32>
    %convert_element_type3A_86 = arith.extui %eq3A_85 : vector<4096x20xi1> to vector<4096x20xi32>
    %convert_element_type3A_87 = arith.sitofp %convert_element_type3A_86 : vector<4096x20xi32> to vector<4096x20xf32>
    %reduce_sum3A_88 = arith.constant dense<0.000000e+00> : vector<4096xf32>
    %reduce_sum3A_89 = vector.multi_reduction <add>, %convert_element_type3A_87, %reduce_sum3A_88 [1] : vector<4096x20xf32> to vector<4096xf32>
    %broadcast_in_dim3A_90 = vector.shape_cast %reduce_sum3A_89 : vector<4096xf32> to vector<4096x1xf32>
    %get3A_91 = arith.constant 5 : index
    %get3A_92 = arith.constant 0 : index
    %get3A_93 = vector.load %arg2[%get3A_91, %get3A_92] : memref<12x64xf32, #tpu.memory_space<vmem>>, vector<1x64xf32>
    %get3A_94 = vector.shape_cast %get3A_93 : vector<1x64xf32> to vector<64xf32>
    %broadcast_in_dim3A_95 = vector.shape_cast %get3A_94 : vector<64xf32> to vector<1x64xf32>
    %mul3A_96 = vector.broadcast %broadcast_in_dim3A_90 : vector<4096x1xf32> to vector<4096x64xf32>
    %mul3A_97 = vector.broadcast %broadcast_in_dim3A_95 : vector<1x64xf32> to vector<4096x64xf32>
    %mul3A_98 = arith.mulf %mul3A_96, %mul3A_97 : vector<4096x64xf32>
    %add3A_99 = arith.addf %add3A_82, %mul3A_98 : vector<4096x64xf32>
    %eq3A_100 = arith.constant 6 : i32
    %eq3A_101 = vector.broadcast %eq3A_100 : i32 to vector<4096x20xi32>
    %eq3A_102 = arith.cmpi eq, %get3A_1, %eq3A_101 : vector<4096x20xi32>
    %convert_element_type3A_103 = arith.extui %eq3A_102 : vector<4096x20xi1> to vector<4096x20xi32>
    %convert_element_type3A_104 = arith.sitofp %convert_element_type3A_103 : vector<4096x20xi32> to vector<4096x20xf32>
    %reduce_sum3A_105 = arith.constant dense<0.000000e+00> : vector<4096xf32>
    %reduce_sum3A_106 = vector.multi_reduction <add>, %convert_element_type3A_104, %reduce_sum3A_105 [1] : vector<4096x20xf32> to vector<4096xf32>
    %broadcast_in_dim3A_107 = vector.shape_cast %reduce_sum3A_106 : vector<4096xf32> to vector<4096x1xf32>
    %get3A_108 = arith.constant 6 : index
    %get3A_109 = arith.constant 0 : index
    %get3A_110 = vector.load %arg2[%get3A_108, %get3A_109] : memref<12x64xf32, #tpu.memory_space<vmem>>, vector<1x64xf32>
    %get3A_111 = vector.shape_cast %get3A_110 : vector<1x64xf32> to vector<64xf32>
    %broadcast_in_dim3A_112 = vector.shape_cast %get3A_111 : vector<64xf32> to vector<1x64xf32>
    %mul3A_113 = vector.broadcast %broadcast_in_dim3A_107 : vector<4096x1xf32> to vector<4096x64xf32>
    %mul3A_114 = vector.broadcast %broadcast_in_dim3A_112 : vector<1x64xf32> to vector<4096x64xf32>
    %mul3A_115 = arith.mulf %mul3A_113, %mul3A_114 : vector<4096x64xf32>
    %add3A_116 = arith.addf %add3A_99, %mul3A_115 : vector<4096x64xf32>
    %eq3A_117 = arith.constant 7 : i32
    %eq3A_118 = vector.broadcast %eq3A_117 : i32 to vector<4096x20xi32>
    %eq3A_119 = arith.cmpi eq, %get3A_1, %eq3A_118 : vector<4096x20xi32>
    %convert_element_type3A_120 = arith.extui %eq3A_119 : vector<4096x20xi1> to vector<4096x20xi32>
    %convert_element_type3A_121 = arith.sitofp %convert_element_type3A_120 : vector<4096x20xi32> to vector<4096x20xf32>
    %reduce_sum3A_122 = arith.constant dense<0.000000e+00> : vector<4096xf32>
    %reduce_sum3A_123 = vector.multi_reduction <add>, %convert_element_type3A_121, %reduce_sum3A_122 [1] : vector<4096x20xf32> to vector<4096xf32>
    %broadcast_in_dim3A_124 = vector.shape_cast %reduce_sum3A_123 : vector<4096xf32> to vector<4096x1xf32>
    %get3A_125 = arith.constant 7 : index
    %get3A_126 = arith.constant 0 : index
    %get3A_127 = vector.load %arg2[%get3A_125, %get3A_126] : memref<12x64xf32, #tpu.memory_space<vmem>>, vector<1x64xf32>
    %get3A_128 = vector.shape_cast %get3A_127 : vector<1x64xf32> to vector<64xf32>
    %broadcast_in_dim3A_129 = vector.shape_cast %get3A_128 : vector<64xf32> to vector<1x64xf32>
    %mul3A_130 = vector.broadcast %broadcast_in_dim3A_124 : vector<4096x1xf32> to vector<4096x64xf32>
    %mul3A_131 = vector.broadcast %broadcast_in_dim3A_129 : vector<1x64xf32> to vector<4096x64xf32>
    %mul3A_132 = arith.mulf %mul3A_130, %mul3A_131 : vector<4096x64xf32>
    %add3A_133 = arith.addf %add3A_116, %mul3A_132 : vector<4096x64xf32>
    %eq3A_134 = arith.constant 8 : i32
    %eq3A_135 = vector.broadcast %eq3A_134 : i32 to vector<4096x20xi32>
    %eq3A_136 = arith.cmpi eq, %get3A_1, %eq3A_135 : vector<4096x20xi32>
    %convert_element_type3A_137 = arith.extui %eq3A_136 : vector<4096x20xi1> to vector<4096x20xi32>
    %convert_element_type3A_138 = arith.sitofp %convert_element_type3A_137 : vector<4096x20xi32> to vector<4096x20xf32>
    %reduce_sum3A_139 = arith.constant dense<0.000000e+00> : vector<4096xf32>
    %reduce_sum3A_140 = vector.multi_reduction <add>, %convert_element_type3A_138, %reduce_sum3A_139 [1] : vector<4096x20xf32> to vector<4096xf32>
    %broadcast_in_dim3A_141 = vector.shape_cast %reduce_sum3A_140 : vector<4096xf32> to vector<4096x1xf32>
    %get3A_142 = arith.constant 8 : index
    %get3A_143 = arith.constant 0 : index
    %get3A_144 = vector.load %arg2[%get3A_142, %get3A_143] : memref<12x64xf32, #tpu.memory_space<vmem>>, vector<1x64xf32>
    %get3A_145 = vector.shape_cast %get3A_144 : vector<1x64xf32> to vector<64xf32>
    %broadcast_in_dim3A_146 = vector.shape_cast %get3A_145 : vector<64xf32> to vector<1x64xf32>
    %mul3A_147 = vector.broadcast %broadcast_in_dim3A_141 : vector<4096x1xf32> to vector<4096x64xf32>
    %mul3A_148 = vector.broadcast %broadcast_in_dim3A_146 : vector<1x64xf32> to vector<4096x64xf32>
    %mul3A_149 = arith.mulf %mul3A_147, %mul3A_148 : vector<4096x64xf32>
    %add3A_150 = arith.addf %add3A_133, %mul3A_149 : vector<4096x64xf32>
    %eq3A_151 = arith.constant 9 : i32
    %eq3A_152 = vector.broadcast %eq3A_151 : i32 to vector<4096x20xi32>
    %eq3A_153 = arith.cmpi eq, %get3A_1, %eq3A_152 : vector<4096x20xi32>
    %convert_element_type3A_154 = arith.extui %eq3A_153 : vector<4096x20xi1> to vector<4096x20xi32>
    %convert_element_type3A_155 = arith.sitofp %convert_element_type3A_154 : vector<4096x20xi32> to vector<4096x20xf32>
    %reduce_sum3A_156 = arith.constant dense<0.000000e+00> : vector<4096xf32>
    %reduce_sum3A_157 = vector.multi_reduction <add>, %convert_element_type3A_155, %reduce_sum3A_156 [1] : vector<4096x20xf32> to vector<4096xf32>
    %broadcast_in_dim3A_158 = vector.shape_cast %reduce_sum3A_157 : vector<4096xf32> to vector<4096x1xf32>
    %get3A_159 = arith.constant 9 : index
    %get3A_160 = arith.constant 0 : index
    %get3A_161 = vector.load %arg2[%get3A_159, %get3A_160] : memref<12x64xf32, #tpu.memory_space<vmem>>, vector<1x64xf32>
    %get3A_162 = vector.shape_cast %get3A_161 : vector<1x64xf32> to vector<64xf32>
    %broadcast_in_dim3A_163 = vector.shape_cast %get3A_162 : vector<64xf32> to vector<1x64xf32>
    %mul3A_164 = vector.broadcast %broadcast_in_dim3A_158 : vector<4096x1xf32> to vector<4096x64xf32>
    %mul3A_165 = vector.broadcast %broadcast_in_dim3A_163 : vector<1x64xf32> to vector<4096x64xf32>
    %mul3A_166 = arith.mulf %mul3A_164, %mul3A_165 : vector<4096x64xf32>
    %add3A_167 = arith.addf %add3A_150, %mul3A_166 : vector<4096x64xf32>
    %eq3A_168 = arith.constant 10 : i32
    %eq3A_169 = vector.broadcast %eq3A_168 : i32 to vector<4096x20xi32>
    %eq3A_170 = arith.cmpi eq, %get3A_1, %eq3A_169 : vector<4096x20xi32>
    %convert_element_type3A_171 = arith.extui %eq3A_170 : vector<4096x20xi1> to vector<4096x20xi32>
    %convert_element_type3A_172 = arith.sitofp %convert_element_type3A_171 : vector<4096x20xi32> to vector<4096x20xf32>
    %reduce_sum3A_173 = arith.constant dense<0.000000e+00> : vector<4096xf32>
    %reduce_sum3A_174 = vector.multi_reduction <add>, %convert_element_type3A_172, %reduce_sum3A_173 [1] : vector<4096x20xf32> to vector<4096xf32>
    %broadcast_in_dim3A_175 = vector.shape_cast %reduce_sum3A_174 : vector<4096xf32> to vector<4096x1xf32>
    %get3A_176 = arith.constant 10 : index
    %get3A_177 = arith.constant 0 : index
    %get3A_178 = vector.load %arg2[%get3A_176, %get3A_177] : memref<12x64xf32, #tpu.memory_space<vmem>>, vector<1x64xf32>
    %get3A_179 = vector.shape_cast %get3A_178 : vector<1x64xf32> to vector<64xf32>
    %broadcast_in_dim3A_180 = vector.shape_cast %get3A_179 : vector<64xf32> to vector<1x64xf32>
    %mul3A_181 = vector.broadcast %broadcast_in_dim3A_175 : vector<4096x1xf32> to vector<4096x64xf32>
    %mul3A_182 = vector.broadcast %broadcast_in_dim3A_180 : vector<1x64xf32> to vector<4096x64xf32>
    %mul3A_183 = arith.mulf %mul3A_181, %mul3A_182 : vector<4096x64xf32>
    %add3A_184 = arith.addf %add3A_167, %mul3A_183 : vector<4096x64xf32>
    %eq3A_185 = arith.constant 11 : i32
    %eq3A_186 = vector.broadcast %eq3A_185 : i32 to vector<4096x20xi32>
    %eq3A_187 = arith.cmpi eq, %get3A_1, %eq3A_186 : vector<4096x20xi32>
    %convert_element_type3A_188 = arith.extui %eq3A_187 : vector<4096x20xi1> to vector<4096x20xi32>
    %convert_element_type3A_189 = arith.sitofp %convert_element_type3A_188 : vector<4096x20xi32> to vector<4096x20xf32>
    %reduce_sum3A_190 = arith.constant dense<0.000000e+00> : vector<4096xf32>
    %reduce_sum3A_191 = vector.multi_reduction <add>, %convert_element_type3A_189, %reduce_sum3A_190 [1] : vector<4096x20xf32> to vector<4096xf32>
    %broadcast_in_dim3A_192 = vector.shape_cast %reduce_sum3A_191 : vector<4096xf32> to vector<4096x1xf32>
    %get3A_193 = arith.constant 11 : index
    %get3A_194 = arith.constant 0 : index
    %get3A_195 = vector.load %arg2[%get3A_193, %get3A_194] : memref<12x64xf32, #tpu.memory_space<vmem>>, vector<1x64xf32>
    %get3A_196 = vector.shape_cast %get3A_195 : vector<1x64xf32> to vector<64xf32>
    %broadcast_in_dim3A_197 = vector.shape_cast %get3A_196 : vector<64xf32> to vector<1x64xf32>
    %mul3A_198 = vector.broadcast %broadcast_in_dim3A_192 : vector<4096x1xf32> to vector<4096x64xf32>
    %mul3A_199 = vector.broadcast %broadcast_in_dim3A_197 : vector<1x64xf32> to vector<4096x64xf32>
    %mul3A_200 = arith.mulf %mul3A_198, %mul3A_199 : vector<4096x64xf32>
    %add3A_201 = arith.addf %add3A_184, %mul3A_200 : vector<4096x64xf32>
    %swap3A = arith.constant 0 : index
    %swap3A_202 = arith.constant 0 : index
    %swap3A_203 = vector.load %arg3[%swap3A, %swap3A_202] : memref<4096x64xf32, #tpu.memory_space<vmem>>, vector<4096x64xf32>
    tpu.vector_store %arg3[%swap3A, %swap3A_202], %add3A_201 {strides = array<i32>} : memref<4096x64xf32, #tpu.memory_space<vmem>>, vector<4096x64xf32>,
    %get3A_204 = arith.constant 0 : index
    %get3A_205 = arith.constant 0 : index
    %get3A_206 = vector.load %arg1[%get3A_204, %get3A_205] : memref<4096x100xi32, #tpu.memory_space<vmem>>, vector<4096x100xi32>
    %broadcast_in_dim3A_207 = arith.constant 0 : i32
    %broadcast_in_dim3A_208 = vector.broadcast %broadcast_in_dim3A_207 : i32 to vector<4096x4xi32>
    %concatenate3A = tpu.concatenate %get3A_206, %broadcast_in_dim3A_208 in 1 : vector<4096x100xi32>, vector<4096x4xi32> -> vector<4096x104xi32>
    %swap3A_209 = arith.constant 0 : index
    %swap3A_210 = arith.constant 0 : index
    %swap3A_211 = vector.load %arg4[%swap3A_209, %swap3A_210] : memref<4096x104xi32, #tpu.memory_space<vmem>>, vector<4096x104xi32>
    tpu.vector_store %arg4[%swap3A_209, %swap3A_210], %concatenate3A {strides = array<i32>} : memref<4096x104xi32, #tpu.memory_space<vmem>>, vector<4096x104xi32>,
    return
  }
}

module attributes {stable_mosaic.version = 14 : i64} {
  func.func @_relayout_body(%arg0: i32, %arg1: memref<64x2048xf32, #tpu.memory_space<vmem>>, %arg2: memref<2048x128xf32, #tpu.memory_space<vmem>>) attributes {dimension_semantics = [#tpu.dimension_semantics<arbitrary>], iteration_bounds = array<i64: 489>, scalar_prefetch = 0 : i64, scratch_operands = 0 : i64, tpu.core_type = #tpu.core_type<tc>, window_params = [{transform_indices = @transform_0, window_bounds = array<i64: 64, 2048>}, {transform_indices = @transform_1, window_bounds = array<i64: 2048, 128>}]} {
    %get3A = arith.constant 0 : index
    %get3A_0 = arith.constant 0 : index
    %get3A_1 = vector.load %arg1[%get3A, %get3A_0] : memref<64x2048xf32, #tpu.memory_space<vmem>>, vector<64x2048xf32>
    %transpose3A = tpu.transpose %get3A_1, [1, 0] : vector<64x2048xf32> -> vector<2048x64xf32>
    %swap3A = arith.constant 0 : index
    %swap3A_2 = arith.constant 0 : index
    %swap3A_3 = vector.load %arg2[%swap3A, %swap3A_2] : memref<2048x128xf32, #tpu.memory_space<vmem>>, vector<2048x64xf32>
    tpu.vector_store %arg2[%swap3A, %swap3A_2], %transpose3A {strides = array<i32>} : memref<2048x128xf32, #tpu.memory_space<vmem>>, vector<2048x64xf32>,
    %broadcast_in_dim3A = arith.constant 0.000000e+00 : f32
    %broadcast_in_dim3A_4 = vector.broadcast %broadcast_in_dim3A : f32 to vector<2048x64xf32>
    %swap3A_5 = arith.constant 0 : index
    %swap3A_6 = arith.constant 64 : index
    %swap3A_7 = vector.load %arg2[%swap3A_5, %swap3A_6] : memref<2048x128xf32, #tpu.memory_space<vmem>>, vector<2048x64xf32>
    tpu.vector_store %arg2[%swap3A_5, %swap3A_6], %broadcast_in_dim3A_4 {strides = array<i32>} : memref<2048x128xf32, #tpu.memory_space<vmem>>, vector<2048x64xf32>,
    return
  }
  func.func @transform_0(%arg0: i32) -> (i32, i32) {
    %c0_i32 = arith.constant 0 : i32
    %c0_i32_0 = arith.constant 0 : i32
    return %c0_i32, %arg0 : i32, i32
  }
  func.func @transform_1(%arg0: i32) -> (i32, i32) {
    %c0_i32 = arith.constant 0 : i32
    %c0_i32_0 = arith.constant 0 : i32
    return %arg0, %c0_i32 : i32, i32
  }
}

module attributes {stable_mosaic.version = 14 : i64} {
  func.func @_loss_body(%arg0: memref<4096x100xf32, #tpu.memory_space<vmem>>, %arg1: memref<4096x1xi32, #tpu.memory_space<vmem>>, %arg2: memref<4096x100xf32, #tpu.memory_space<vmem>>, %arg3: memref<1x1xf32, #tpu.memory_space<smem>>, %arg4: memref<1x1xf32, #tpu.memory_space<smem>>) attributes {dimension_semantics = [], scalar_prefetch = 0 : i64, scratch_operands = 0 : i64, tpu.core_type = #tpu.core_type<tc>} {
    %get3A = arith.constant 0 : index
    %get3A_0 = arith.constant 0 : index
    %get3A_1 = vector.load %arg0[%get3A, %get3A_0] : memref<4096x100xf32, #tpu.memory_space<vmem>>, vector<4096x100xf32>
    %get3A_2 = arith.constant 0 : index
    %get3A_3 = arith.constant 0 : index
    %get3A_4 = vector.load %arg1[%get3A_2, %get3A_3] : memref<4096x1xi32, #tpu.memory_space<vmem>>, vector<4096x1xi32>
    %get3A_5 = arith.constant 0 : index
    %get3A_6 = arith.constant 0 : index
    %get3A_7 = vector.load %arg2[%get3A_5, %get3A_6] : memref<4096x100xf32, #tpu.memory_space<vmem>>, vector<4096x100xf32>
    %reduce_max3A = arith.constant dense<0xFF800000> : vector<4096xf32>
    %reduce_max3A_8 = vector.multi_reduction <maximumf>, %get3A_1, %reduce_max3A [1] : vector<4096x100xf32> to vector<4096xf32>
    %max3A = arith.constant 0xFF800000 : f32
    %max3A_9 = vector.broadcast %max3A : f32 to vector<4096xf32>
    %max3A_10 = arith.maximumf %max3A_9, %reduce_max3A_8 : vector<4096xf32>
    %broadcast_in_dim3A = vector.shape_cast %max3A_10 : vector<4096xf32> to vector<4096x1xf32>
    %sub3A = vector.broadcast %broadcast_in_dim3A : vector<4096x1xf32> to vector<4096x100xf32>
    %sub3A_11 = arith.subf %get3A_1, %sub3A : vector<4096x100xf32>
    %exp3A = math.exp %sub3A_11 : vector<4096x100xf32>
    %reduce_sum3A = arith.constant dense<0.000000e+00> : vector<4096xf32>
    %reduce_sum3A_12 = vector.multi_reduction <add>, %exp3A, %reduce_sum3A [1] : vector<4096x100xf32> to vector<4096xf32>
    %broadcast_in_dim3A_13 = vector.shape_cast %reduce_sum3A_12 : vector<4096xf32> to vector<4096x1xf32>
    %div3A = vector.broadcast %broadcast_in_dim3A_13 : vector<4096x1xf32> to vector<4096x100xf32>
    %div3A_14 = arith.divf %exp3A, %div3A : vector<4096x100xf32>
    %reduce_max3A_15 = arith.constant dense<0xFF800000> : vector<4096xf32>
    %reduce_max3A_16 = vector.multi_reduction <maximumf>, %div3A_14, %reduce_max3A_15 [1] : vector<4096x100xf32> to vector<4096xf32>
    %max3A_17 = arith.constant 0xFF800000 : f32
    %max3A_18 = vector.broadcast %max3A_17 : f32 to vector<4096xf32>
    %max3A_19 = arith.maximumf %max3A_18, %reduce_max3A_16 : vector<4096xf32>
    %broadcast_in_dim3A_20 = vector.shape_cast %max3A_19 : vector<4096xf32> to vector<4096x1xf32>
    %sub3A_21 = vector.broadcast %broadcast_in_dim3A_20 : vector<4096x1xf32> to vector<4096x100xf32>
    %sub3A_22 = arith.subf %div3A_14, %sub3A_21 : vector<4096x100xf32>
    %exp3A_23 = math.exp %sub3A_22 : vector<4096x100xf32>
    %reduce_sum3A_24 = arith.constant dense<0.000000e+00> : vector<4096xf32>
    %reduce_sum3A_25 = vector.multi_reduction <add>, %exp3A_23, %reduce_sum3A_24 [1] : vector<4096x100xf32> to vector<4096xf32>
    %broadcast_in_dim3A_26 = vector.shape_cast %reduce_sum3A_25 : vector<4096xf32> to vector<4096x1xf32>
    %log3A = math.log %broadcast_in_dim3A_26 : vector<4096x1xf32>
    %sub3A_27 = vector.broadcast %log3A : vector<4096x1xf32> to vector<4096x100xf32>
    %sub3A_28 = arith.subf %sub3A_22, %sub3A_27 : vector<4096x100xf32>
    %iota3A = tpu.iota {dimensions = array<i32: 1>} : vector<4096x100xi32>
    %eq3A = vector.broadcast %get3A_4 : vector<4096x1xi32> to vector<4096x100xi32>
    %eq3A_29 = arith.cmpi eq, %iota3A, %eq3A : vector<4096x100xi32>
    %jit3A = arith.constant 0.000000e+00 : f32
    %broadcast_in_dim3A_30 = vector.broadcast %jit3A : f32 to vector<4096x100xf32>
    %select_n3A = arith.select %eq3A_29, %sub3A_28, %broadcast_in_dim3A_30 : vector<4096x100xi1>, vector<4096x100xf32>
    %reduce_sum3A_31 = arith.constant dense<0.000000e+00> : vector<4096xf32>
    %reduce_sum3A_32 = vector.multi_reduction <add>, %select_n3A, %reduce_sum3A_31 [1] : vector<4096x100xf32> to vector<4096xf32>
    %reduce_sum3A_33 = vector.shape_cast %reduce_sum3A_32 : vector<4096xf32> to vector<1x4096xf32>
    %reduce_sum3A_34 = arith.constant dense<0.000000e+00> : vector<1xf32>
    %reduce_sum3A_35 = vector.multi_reduction <add>, %reduce_sum3A_33, %reduce_sum3A_34 [1] : vector<1x4096xf32> to vector<1xf32>
    %reduce_sum3A_36 = vector.shape_cast %reduce_sum3A_35 : vector<1xf32> to vector<1x1xf32>
    %reduce_sum3A_37 = vector.extract %reduce_sum3A_36[0, 0] : f32 from vector<1x1xf32>
    %div3A_38 = arith.constant 4.096000e+03 : f32
    %div3A_39 = arith.divf %reduce_sum3A_37, %div3A_38 : f32
    %neg3A = arith.constant 0.000000e+00 : f32
    %neg3A_40 = arith.subf %neg3A, %div3A_39 : f32
    %swap3A = arith.constant 0 : index
    %swap3A_41 = arith.constant 0 : index
    %swap3A_42 = memref.load %arg3[%swap3A, %swap3A_41] : memref<1x1xf32, #tpu.memory_space<smem>>
    memref.store %neg3A_40, %arg3[%swap3A, %swap3A_41] : memref<1x1xf32, #tpu.memory_space<smem>>
    %add3A = arith.constant 9.99999968E-21 : f32
    %add3A_43 = vector.broadcast %add3A : f32 to vector<4096x100xf32>
    %add3A_44 = arith.addf %div3A_14, %add3A_43 : vector<4096x100xf32>
    %log3A_45 = math.log %add3A_44 : vector<4096x100xf32>
    %add3A_46 = arith.addf %log3A_45, %get3A_7 : vector<4096x100xf32>
    %reduce_max3A_47 = arith.constant dense<0xFF800000> : vector<4096xf32>
    %reduce_max3A_48 = vector.multi_reduction <maximumf>, %add3A_46, %reduce_max3A_47 [1] : vector<4096x100xf32> to vector<4096xf32>
    %broadcast_in_dim3A_49 = vector.shape_cast %reduce_max3A_48 : vector<4096xf32> to vector<4096x1xf32>
    %eq3A_50 = vector.broadcast %broadcast_in_dim3A_49 : vector<4096x1xf32> to vector<4096x100xf32>
    %eq3A_51 = arith.cmpf oeq, %add3A_46, %eq3A_50 : vector<4096x100xf32>
    %jit3A_52 = arith.constant 100 : i32
    %broadcast_in_dim3A_53 = vector.broadcast %jit3A_52 : i32 to vector<4096x100xi32>
    %select_n3A_54 = arith.select %eq3A_51, %iota3A, %broadcast_in_dim3A_53 : vector<4096x100xi1>, vector<4096x100xi32>
    %reduce_min3A = arith.constant dense<2147483647> : vector<4096xi32>
    %reduce_min3A_55 = vector.multi_reduction <minsi>, %select_n3A_54, %reduce_min3A [1] : vector<4096x100xi32> to vector<4096xi32>
    %broadcast_in_dim3A_56 = vector.shape_cast %reduce_min3A_55 : vector<4096xi32> to vector<4096x1xi32>
    %eq3A_57 = arith.cmpi eq, %broadcast_in_dim3A_56, %get3A_4 : vector<4096x1xi32>
    %convert_element_type3A = arith.extui %eq3A_57 : vector<4096x1xi1> to vector<4096x1xi32>
    %convert_element_type3A_58 = arith.sitofp %convert_element_type3A : vector<4096x1xi32> to vector<4096x1xf32>
    %reduce_sum3A_59 = vector.shape_cast %convert_element_type3A_58 : vector<4096x1xf32> to vector<1x4096x1xf32>
    %reduce_sum3A_60 = arith.constant dense<0.000000e+00> : vector<1xf32>
    %reduce_sum3A_61 = vector.multi_reduction <add>, %reduce_sum3A_59, %reduce_sum3A_60 [1, 2] : vector<1x4096x1xf32> to vector<1xf32>
    %reduce_sum3A_62 = vector.shape_cast %reduce_sum3A_61 : vector<1xf32> to vector<1x1x1xf32>
    %reduce_sum3A_63 = vector.extract %reduce_sum3A_62[0, 0, 0] : f32 from vector<1x1x1xf32>
    %div3A_64 = arith.constant 4.096000e+03 : f32
    %div3A_65 = arith.divf %reduce_sum3A_63, %div3A_64 : f32
    %swap3A_66 = arith.constant 0 : index
    %swap3A_67 = arith.constant 0 : index
    %swap3A_68 = memref.load %arg4[%swap3A_66, %swap3A_67] : memref<1x1xf32, #tpu.memory_space<smem>>
    memref.store %div3A_65, %arg4[%swap3A_66, %swap3A_67] : memref<1x1xf32, #tpu.memory_space<smem>>
    return
  }
}

</mosaic_0001>

<sc_bundles>
// kernel: kernel.6.cloned.1.call-start
scs
__scs_entry_jumppad:
0x0: {  	(pc) =	sbr.rel $0x88, $3  }
0x1: {  	(tag) =	ssettag $0x0;
	lr =	simm.s32 $0x1  }
0x2: {  	[smem:$0x3F9C] =	sst lr;
	_ =	strace $0xD0000000  }
0x3: {  	_ = 	snop  }
0x4: {  	_ = 	snop  }
0x5: {  	_ = 	snop  }
0x6: {  	_ = 	snop  }
0x7: {  	_ = 	snop  }
__scs_overlays_trampoline_lowered:
0x8: {  	[smem:$0x3FAB] =	sst s0  }
0x9: {  	[smem:$0x3FAC] =	sst s1  }
0xa: {  	[smem:$0x3FAD] =	sst s2  }
0xb: {  	[smem:$0x3FAE] =	sst s3  }
0xc: {  	[smem:$0x3FAF] =	sst s4  }
0xd: {  	[smem:$0x3FB0] =	sst s5  }
0xe: {  	[smem:$0x3FB1] =	sst s6  }
0xf: {  	[smem:$0x3FB2] =	sst s7  }
0x10: {  	[smem:$0x3FB3] =	sst s8  }
0x11: {  	[smem:$0x3FB4] =	sst s9;
	s0 =	simm.s32 @!p0 $0x0  }
0x12: {  	s1 =	sld [smem:$0x3F9A];
	s0 =	simm.s32 @p0 $0x1  }
0x13: {  	[smem:$0x3FB5] =	sst s0;
	s0 =	simm.s32 @!p1 $0x0  }
0x14: {  	s2 =	sld [smem:$0x3F99];
	s0 =	simm.s32 @p1 $0x1  }
0x15: {  	[smem:$0x3FB6] =	sst s0;
	s0 =	simm.s32 @!p2 $0x0  }
0x16: {  	s3 =	sld [smem:$0x3FDB];
	s0 =	simm.s32 @p2 $0x1  }
0x17: {  	s4 =	simm.s32 $0x1BF5;
	[smem:$0x3FB8] =	sst s0  }
0x18: {  	s0 =	sld [smem:$0x3F9B];
	_ =	swait.ge [sflag:s4], $0x0  }
0x19: {  	s7 =	sld [smem:$0x3F9C]  }
0x1a: {  	s8 =	sadd.s32 $0xFFFFE003, lr  }
0x1b: {  	s9 =	sadd.s32 $0xFFFFFEF7, lr;
	s5 =	simm.s32 $0xFFFFFFFF;
	p2 =	slt.u32 s8, $0xFFFFF086  }
0x1c: {  	p1 =	slt.u32 s9, $0xF7A;
	s5 =	simm.s32 @!p2 $0x0  }
0x1d: {  	s5 =	simm.s32 @p1 $0x1;
	p0 =	seq.s32 s7, s2  }
0x1e: {  	s7 =	smul.u32 @!p0 $0xF7A, s2;
	p2 =	seq.s32 @!p0 s5, $0x0  }
0x1f: {  	s9 =	smul.u32 $0xF7A, s1;
	s8 =	simm.s32 @!p0 $0x1BF5;
	p2 =	por !p2, p0  }
0x20: {  	[sflag:s8] =	ssyncset.s32 @!p0 $0xFFFFF086;
	s6 =	sadd.s32 @!p0 s3, s7;
	s7 =	simm.s32 @!p0 $0x108  }
0x21: {  	s3 =	sadd.s32 s3, s9;
	s6 =	sadd.s32 @!p0 $0x88, s6;
	s7 =	simm.s32 @p2 $0x1082  }
0x22: {  	[simem:s7], [sflag:s8] =	dma.local @!p0 [hbm:s6], $0xF7A  }
0x23: {  	s9 =	sor.u32 $0xD0000000, s2;
	s6 =	simm.s32 $0x108;
	_ =	swait.ge @!p0 [sflag:s8], $0x0  }
0x24: {  	s3 =	sadd.s32 $0x88, s3;
	s6 =	simm.s32 @!p1 $0x1082;
	[sflag:s4] =	ssyncset.s32 $0xFFFFF086  }
0x25: {  	[simem:s6], [sflag:s4] =	dma.local [hbm:s3], $0xF7A  }
0x26: {  	[smem:$0x3F9C] =	sst s1;
	(tag) =	ssettag s2;
	_ =	strace s9  }
0x27: {  	s1 =	sld [smem:$0x3FAC]  }
0x28: {  	s2 =	sld [smem:$0x3FAD]  }
0x29: {  	s4 =	sld [smem:$0x3FAF]  }
0x2a: {  	p0 =	seq.s32 s5, $0x0;
	s5 =	sld [smem:$0x3FB0]  }
0x2b: {  	s6 =	sld [smem:$0x3FB1]  }
0x2c: {  	s7 =	sld [smem:$0x3FB2]  }
0x2d: {  	s3 =	simm.s32 $0x108;
	s8 =	sld [smem:$0x3FB3]  }
0x2e: {  	s3 =	simm.s32 @!p0 $0x1082;
	s9 =	sld [smem:$0x3FB4]  }
0x2f: {  	lr =	sadd.s32 s0, s3;
	s0 =	sld [smem:$0x3FAB]  }
0x30: {  	s3 =	sld [smem:$0x3FAE]  }
0x31: {  	[smem:$0x3FB7] =	sst s10  }
0x32: {  	s10 =	sld [smem:$0x3FB5];
	_ =	sdelay $0x3  }
0x33: {  	p0 =	seq.s32 s10, $0x1;
	s10 =	sld [smem:$0x3FB7];
	_ =	sdelay $0x3  }
0x34: {  	[smem:$0x3FB7] =	sst s10  }
0x35: {  	s10 =	sld [smem:$0x3FB6];
	_ =	sdelay $0x3  }
0x36: {  	p1 =	seq.s32 s10, $0x1;
	s10 =	sld [smem:$0x3FB7];
	_ =	sdelay $0x3  }
0x37: {  	[smem:$0x3FB7] =	sst s10  }
0x38: {  	s10 =	sld [smem:$0x3FB8]  }
0x39: {  	_ = 	snop;
	(pc) =	sbr.ind lr, $3  }
0x3a: {  	_ = 	snop  }
0x3b: {  	_ = 	snop  }
0x3c: {  	p2 =	seq.s32 s10, $0x1;
	s10 =	sld [smem:$0x3FB7]  }
0x3d: {  	_ =	shalt  }
0x3e: {  	_ =	shalt  }
0x3f: {  	_ =	shalt  }
0x40: {  	_ =	shalt  }
0x41: {  	_ =	shalt  }
0x42: {  	_ =	shalt  }
0x43: {  	_ =	shalt  }
0x44: {  	_ =	shalt  }
0x45: {  	_ =	shalt  }
0x46: {  	_ =	shalt  }
0x47: {  	_ =	shalt  }
0x48: {  	_ =	shalt  }
0x49: {  	_ =	shalt  }
0x4a: {  	_ =	shalt  }
0x4b: {  	_ =	shalt  }
0x4c: {  	_ =	shalt  }
0x4d: {  	_ =	shalt  }
0x4e: {  	_ =	shalt  }
0x4f: {  	_ =	shalt  }
0x50: {  	_ =	shalt  }
0x51: {  	_ =	shalt  }
0x52: {  	_ =	shalt  }
0x53: {  	_ =	shalt  }
0x54: {  	_ =	shalt  }
0x55: {  	_ =	shalt  }
0x56: {  	_ =	shalt  }
0x57: {  	_ =	shalt  }
0x58: {  	_ =	shalt  }
0x59: {  	_ =	shalt  }
0x5a: {  	_ =	shalt  }
0x5b: {  	_ =	shalt  }
0x5c: {  	_ =	shalt  }
0x5d: {  	_ =	shalt  }
0x5e: {  	_ =	shalt  }
0x5f: {  	_ =	shalt  }
0x60: {  	_ =	shalt  }
0x61: {  	_ =	shalt  }
0x62: {  	_ =	shalt  }
0x63: {  	_ =	shalt  }
0x64: {  	_ =	shalt  }
0x65: {  	_ =	shalt  }
0x66: {  	_ =	shalt  }
0x67: {  	_ =	shalt  }
0x68: {  	_ =	shalt  }
0x69: {  	_ =	shalt  }
0x6a: {  	_ =	shalt  }
0x6b: {  	_ =	shalt  }
0x6c: {  	_ =	shalt  }
0x6d: {  	_ =	shalt  }
0x6e: {  	_ =	shalt  }
0x6f: {  	_ =	shalt  }
0x70: {  	_ =	shalt  }
0x71: {  	_ =	shalt  }
0x72: {  	_ =	shalt  }
0x73: {  	_ =	shalt  }
0x74: {  	_ =	shalt  }
0x75: {  	_ =	shalt  }
0x76: {  	_ =	shalt  }
0x77: {  	_ =	shalt  }
0x78: {  	_ =	shalt  }
0x79: {  	_ =	shalt  }
0x7a: {  	_ =	shalt  }
0x7b: {  	_ =	shalt  }
0x7c: {  	_ =	shalt  }
0x7d: {  	_ =	shalt  }
0x7e: {  	_ =	shalt  }
0x7f: {  	_ =	shalt  }
0x80: {  	_ =	shalt  }
0x81: {  	_ =	shalt  }
0x82: {  	_ =	shalt  }
0x83: {  	_ =	shalt  }
0x84: {  	_ =	shalt  }
0x85: {  	_ =	shalt  }
0x86: {  	_ =	shalt  }
0x87: {  	_ =	shalt  }
.Lfunc_end0:
.L_simem_size_0:
called_computation_lowered:
.L_overlay_start_0:
0x88: {  	s2 =	sld [smem:$0x3FD9]  }
0x89: {  	s3 =	sld [smem:$0x3FFE];
	_ =	sdelay $0x1  }
0x8a: {  	s1 =	srdreg.scid  }
0x8b: {  	s0 =	sand.u32 $0x1, s1  }
0x8c: {  	s16 =	sshll.u32 s0, $0xA;
	s2 =	sadd.s32 s3, s2  }
0x8d: {  	s2 =	sadd.s32 s2, s16  }
0x8e: {  	[smem:$0x3FC3] =	sst s2  }
0x8f: {  	_ = 	snop  }
0x90: {  	(tm) =	ssettm $0x1  }
0x91: {  	s17 =	sld [smem:$0x3FFB];
	_ =	sdelay $0x3  }
0x92: {  	_ =	strace s17  }
0x93: {  	s2 =	sld [smem:$0x3FFC];
	_ =	sdelay $0x3  }
0x94: {  	_ =	strace s2  }
0x95: {  	s2 =	sld [smem:$0x3FFD];
	_ =	sdelay $0x3  }
0x96: {  	_ =	strace s2  }
0x97: {  	_ =	strace $0x8FFFFFFF  }
0x98: {  	s18 =	sld [smem:$0x3FDB];
	_ =	sdelay $0x1  }
0x99: {  	s19 =	simm.s32 $_scs_section_size  }
0x9a: {  	s4 =	simm.s32 $_size__tile_overlayer_lowered;
	s5 =	simm.s32 $_tile_overlayer_lowered  }
0x9b: {  	s22 =	simm.s32 $0x1BFF;
	s21 =	sshll.u32 s5, $0x1;
	s2 =	sadd.s32 s19, s18  }
0x9c: {  	s6 =	simm.s32 $0x0;
	s20 =	sshll.u32 s4, $0x1;
	s4 =	sadd.s32 s21, s2  }
0x9d: {  	[timem:s6], [sflag:s22] =	dma.local [hbm:s4], s20  }
0x9e: {  	_ =	swait.ge [sflag:s22], s20  }
0x9f: {  	s3 =	ssub.s32 $0x0, s20;
	[sflag:s22] =	ssyncset.done $0x0  }
0xa0: {  	[sflag:s22] =	ssyncadd.s32 s3;
	_ =	sdelay $0x1  }
0xa1: {  	s23 =	simm.s32 $0x1B8B  }
0xa2: {  	_ =	swait.ge [sflag:s23], $0x1  }
0xa3: {  	[sflag:s23] =	ssyncset.done $0x0  }
0xa4: {  	s25 =	simm.s32 $0x1B8E;
	s24 =	sld [smem:$0x3FFE];
	[sflag:s23] =	ssyncadd.s32 $0xFFFFFFFF  }
0xa5: {  	s26 =	simm.s32 $execute0_lowered;
	[smem:$0x3FD2] =	sst s25  }
0xa6: {  	s4 =	sshll.u32 s26, $0x1;
	_ =	strace $0x80000046;
	[dreg:$0x1] =	wrdreg $0xFFFFFFFF  }
0xa7: {  	s28 =	simm.s32 $_size_execute0_lowered;
	s2 =	sadd.s32 s2, s4;
	[dreg:$0x0] =	wrdreg $0x0  }
0xa8: {  	s4 =	sshll.u32 s28, $0x1;
	[dreg:$0x2] =	wrdreg s2  }
0xa9: {  	[dreg:$0x3] =	wrdreg s4  }
0xaa: {  	[dreg:$0x4] =	wrdreg $0xC0  }
0xab: {  	_ =	task [dreg:s6], $0x5FFFF  }
0xac: {  	[dreg:$0x1] =	wrdreg $0xFFFFFFFF  }
0xad: {  	[dreg:$0x0] =	wrdreg $0x60  }
0xae: {  	[dreg:$0x2] =	wrdreg s24  }
0xaf: {  	[dreg:$0x3] =	wrdreg $0x9  }
0xb0: {  	_ =	task.clear_ibuf [dreg:s6], $0x4FFFF;
	_ =	strace $0x90000046  }
0xb1: {  	s29 =	simm.s32 $0x9;
	_ =	strace $0x80000048  }
0xb2: {  	_ =	swait.ge [sflag:s29], $0x1  }
0xb3: {  	[sflag:s29] =	ssyncadd.s32 $0xFFFFFFFF  }
0xb4: {  	_ =	strace $0x90000048  }
0xb5: {  	_ =	sfence  }
0xb6: {  	s30 =	sld [smem:$0x0];
	_ =	sdelay $0x2  }
0xb7: {  	s31 =	sshll.u32 s1, $0xD;
	s1 =	sshrl.u32 s1, $0x2  }
0xb8: {  	s3 =	sand.u32 $0x4000, s31;
	s1 =	sadd.s32 s1, s30  }
0xb9: {  	s0 =	sor.u32 s3, s0;
	s1 =	sshll.u32 s1, $0x11  }
0xba: {  	s0 =	sor.u32 s1, s0  }
0xbb: {  	s0 =	sadd.s32 $0x8F2B, s0  }
0xbc: {  	[sflag:s0] =	ssyncadd.remote.s32 $0x1  }
0xbd: {  	_ =	sfence.sel $0xFFFF  }
0xbe: {  	[dreg:$0x0] =	wrdreg $0xFFFFFFFF;
	(pc) =	sbr.abs _section_cstart, $3  }
0xbf: {  	[dreg:$0x1] =	wrdreg $0xFFFFFFFF  }
0xc0: {  	_ =	task.clear_ibuf [dreg:s6], $0x2FFFF;
	_ =	strace $0x9FFFFFFF  }
0xc1: {  	(tm) =	ssettm $0x7FFFFFFF  }
tec
execute0_lowered:
.L_overlay_start_1:
0x0: {  	(tag) =	ssettag $0x1  }
0x1: {  	v0 =	vimm.s32 $0x9D80;
	vm14 =	vcmask $0x300  }
0x2: {  	vm13 =	vcmask $0x704;
	vm12 =	vcmask $0xB08;
	vm10 =	vcmask $0xF0C  }
0x3: {  	v1 =	vimm.s32 $0xA580;
	vm11 =	vcmask $0x1310;
	vm9 =	vcmask $0x1714  }
0x4: {  	vm8 =	vcmask $0x1B18;
	vm7 =	vcmask $0x1F1C;
	vm6 =	vcmask $0x2320  }
0x5: {  	vm5 =	vcmask $0x2724;
	vm4 =	vcmask $0x2B28;
	vm3 =	vcmask $0x2F2C  }
0x6: {  	vm2 =	vcmask $0x3330;
	vm1 =	vcmask $0x3734;
	vm0 =	vcmask $0x3B38  }
0x7: {  	v2 =	vimm.s32 $0xA380;
	v3 =	vimm.s32 $0xA180;
	v4 =	vimm.s32 $0x9F80  }
0x8: {  	v5 =	vlaneseq.u32;
	v0 =	vsel vm14, $0x0, v0;
	v1 =	vsel vm14, $0x800, v1  }
0x9: {  	v2 =	vsel vm14, $0x600, v2;
	v3 =	vsel vm14, $0x400, v3;
	v4 =	vsel vm14, $0x200, v4  }
0xa: {  	v6 =	vand.u32 $0x3, v5;
	v5 =	vshrl.u32 v5, $0x2;
	v0 =	vsel vm13, $0x3400, v0  }
0xb: {  	v1 =	vsel vm13, $0x3C00, v1;
	v2 =	vsel vm13, $0x3A00, v2;
	v3 =	vsel vm13, $0x3800, v3  }
0xc: {  	v4 =	vsel vm13, $0x3600, v4;
	v8 =	vor.u32 $0x8, v5;
	v9 =	vor.u32 $0xC, v5  }
0xd: {  	v10 =	vor.u32 $0x10, v5;
	v0 =	vsel vm12, $0x6800, v0;
	v1 =	vsel vm12, $0x7000, v1  }
0xe: {  	v2 =	vsel vm12, $0x6E00, v2;
	v3 =	vsel vm12, $0x6C00, v3;
	v4 =	vsel vm12, $0x6A00, v4  }
0xf: {  	v0 =	vsel vm10, $0x9C00, v0;
	v1 =	vsel vm10, $0xA400, v1;
	v2 =	vsel vm10, $0xA200, v2  }
0x10: {  	v3 =	vsel vm10, $0xA000, v3;
	v4 =	vsel vm10, $0x9E00, v4;
	v0 =	vsel vm11, $0x80, v0  }
0x11: {  	v1 =	vsel vm11, $0x880, v1;
	v2 =	vsel vm11, $0x680, v2;
	v3 =	vsel vm11, $0x480, v3  }
0x12: {  	v4 =	vsel vm11, $0x280, v4;
	v0 =	vsel vm9, $0x3480, v0;
	v1 =	vsel vm9, $0x3C80, v1  }
0x13: {  	v2 =	vsel vm9, $0x3A80, v2;
	v3 =	vsel vm9, $0x3880, v3;
	v4 =	vsel vm9, $0x3680, v4  }
0x14: {  	v0 =	vsel vm8, $0x6880, v0;
	v1 =	vsel vm8, $0x7080, v1;
	v2 =	vsel vm8, $0x6E80, v2  }
0x15: {  	v3 =	vsel vm8, $0x6C80, v3;
	v4 =	vsel vm8, $0x6A80, v4;
	v0 =	vsel vm7, $0x9C80, v0  }
0x16: {  	v1 =	vsel vm7, $0xA480, v1;
	v2 =	vsel vm7, $0xA280, v2;
	v3 =	vsel vm7, $0xA080, v3  }
0x17: {  	v4 =	vsel vm7, $0x9E80, v4;
	v0 =	vsel vm6, $0x100, v0;
	v1 =	vsel vm6, $0x900, v1  }
0x18: {  	v2 =	vsel vm6, $0x700, v2;
	v3 =	vsel vm6, $0x500, v3;
	v4 =	vsel vm6, $0x300, v4  }
0x19: {  	s1 =	srdreg.scid;
	v0 =	vsel vm5, $0x3500, v0;
	v1 =	vsel vm5, $0x3D00, v1;
	v2 =	vsel vm5, $0x3B00, v2  }
0x1a: {  	s0 =	stileid.u32;
	s5 =	rddreg [dreg:$0x0];
	v3 =	vsel vm5, $0x3900, v3;
	v4 =	vsel vm5, $0x3700, v4;
	v0 =	vsel vm4, $0x6900, v0  }
0x1b: {  	s2 =	simm.s32 $0x0;
	s10 =	simm.s32 $0x1A0;
	s11 =	simm.s32 $0x3400;
	v1 =	vsel vm4, $0x7100, v1;
	v2 =	vsel vm4, $0x6F00, v2;
	v3 =	vsel vm4, $0x6D00, v3  }
0x1c: {  	s12 =	simm.s32 $0x10400;
	s13 =	simm.s32 $0x1D400;
	s14 =	simm.s32 $0x1;
	v4 =	vsel vm4, $0x6B00, v4;
	v0 =	vsel vm3, $0x9D00, v0;
	v1 =	vsel vm3, $0xA500, v1  }
0x1d: {  	s15 =	simm.s32 $0x1D800;
	s16 =	simm.s32 $0x2;
	s17 =	simm.s32 $0x0;
	v2 =	vsel vm3, $0xA300, v2;
	v3 =	vsel vm3, $0xA100, v3;
	v4 =	vsel vm3, $0x9F00, v4  }
0x1e: {  	s3 =	sand.u32 $0x1, s1;
	s4 =	sshll.u32 s0, $0x1;
	s1 =	rddreg [dreg:$0x1];
	v0 =	vsel vm2, $0x180, v0;
	v1 =	vsel vm2, $0x980, v1;
	v2 =	vsel vm2, $0x780, v2  }
0x1f: {  	[smem:$0x7FF] =	sst s2;
	s7 =	sor.u32 s3, s4;
	s6 =	ssub.s32 $0x2, s3;
	v3 =	vsel vm2, $0x580, v3;
	v4 =	vsel vm2, $0x380, v4;
	v0 =	vsel vm1, $0x3580, v0  }
0x20: {  	_ =	strace $0x80000047;
	s4 =	smul.u32 $0x680, s7;
	s9 =	sshrl.u32 s6, $0x1;
	v1 =	vsel vm1, $0x3D80, v1;
	v2 =	vsel vm1, $0x3B80, v2;
	v3 =	vsel vm1, $0x3980, v3  }
0x21: {  	s3 =	sadd.s32 $0x1400, s5;
	s7 =	sshll.u32 s7, $0xB;
	s9 =	ssub.s32 s6, s9;
	v7 =	vsel vm1, $0x3780, v4;
	v4 =	vmul.u32 $0x80, v6;
	v0 =	vsel vm0, $0x6980, v0  }
0x22: {  	s8 =	sadd.s32 s4, s5;
	s4 =	sadd.s32 $0x1E400, s5;
	s5 =	sadd.s32 $0xF60800, s5;
	v1 =	vsel vm0, $0x7180, v1;
	v2 =	vsel vm0, $0x6F80, v2;
	v3 =	vsel vm0, $0x6D80, v3  }
0x23: {  	s6 =	sadd.s32 $0x11400, s8;
	s8 =	smax.u32 s9, $0x1;
	s9 =	simm.s32 $0x3;
	v6 =	vsel vm0, $0x6B80, v7;
	v7 =	vor.u32 $0x4, v5;
	v11 =	vor.u32 $0x200, v4  }
.LBB2_1:
0x24: {  	[tilespmem:s2], [sflag:$0x3] =	stream.linear.gather [hbm4b:s6+s2], $0x3400, $0x38;
	[tilespmem:$0x1DC00] =	vst v63  }
0x25: {  	_ =	swait.ge [sflag:s9], $0x3400  }
0x26: {  	[sflag:s9] =	ssyncset.done $0x0  }
0x27: {  	[sflag:s9] =	ssyncadd.s32 $0xFFFFCC00  }
0x28: {  	[tilespmem:s11], [sflag:$0x1] =	stream.indirect.gather [hbm4b:s4+s10], $0x80, s2, s10, $0xb8;
	[tilespmem:$0x1DC00] =	vst v63  }
0x29: {  	s18 =	simm.s32 $0x0  }
0x2a: {  	[tilespmem:s12], [sflag:$0x2] =	stream.indirect.gather [hbm4b:s4+s10], $0x80, s10, s10, $0xb8;
	[tilespmem:$0x1DC00] =	vst v63  }
.LBB2_2:
0x2b: {  	s19 =	sshll.u32 s18, $0x7  }
0x2c: {  	s19 =	sadd.s32 s7, s19  }
0x2d: {  	s20 =	simm.s32 $0x0;
	s21 =	sadd.s32 s3, s19  }
0x2e: {  	[tilespmem:s13], [sflag:$0x3] =	stream.linear.gather [hbm4b:s21+s20], $0x400, $0x38;
	[tilespmem:$0x1DC00] =	vst v63  }
0x2f: {  	_ =	swait.ge [sflag:s9], $0x400  }
0x30: {  	[sflag:s9] =	ssyncset.done $0x0  }
0x31: {  	[sflag:s9] =	ssyncadd.s32 $0xFFFFFC00  }
0x32: {  	_ =	swait.ge [sflag:s14], $0xD000  }
0x33: {  	[sflag:s14] =	ssyncset.done $0x0  }
0x34: {  	s21 =	simm.s32 $0x0;
	[sflag:s14] =	ssyncadd.s32 $0xFFFF3000  }
.LBB2_3:
0x35: {  	s22 =	smul.u32 $0x14, s21;
	v12 =	vmov s20  }
0x36: {  	v13 =	vand.u32 $0x7F, v12  }
0x37: {  	v12 =	vmov s22;
	v17 =	vbroadcast v13, $0x0  }
0x38: {  	v16 =	vshll.u32 v12, $0x7  }
0x39: {  	v15 =	vadd.s32 v6, v16;
	v19 =	vor.u32 v4, v17  }
0x3a: {  	s30 =	simm.s32 $0x1;
	v13 =	vadd.s32 v1, v16;
	v21 =	vor.u32 v15, v17  }
0x3b: {  	v20 =	vmov s30;
	v18 =	vadd.s32 v0, v16;
	v22 =	vor.u32 v13, v17  }
0x3c: {  	v20 =	vand.u32 $0x7F, v20;
	v14 =	vadd.s32 v2, v16;
	v23 =	vor.u32 v18, v17  }
0x3d: {  	v25 =	vbroadcast v20, $0x0;
	v16 =	vadd.s32 v3, v16;
	v24 =	vor.u32 v14, v17  }
0x3e: {  	v27 =	vor.u32 v16, v17;
	v20 =	vld.idx.msk [tilespmem:v19+s13+$0x0], $0xffff  }
0x3f: {  	v19 =	vor.u32 v4, v25;
	v21 =	vld.idx.msk [tilespmem:v21+s11+$0x0], $0xffff  }
0x40: {  	v34 =	vor.u32 v15, v25;
	v26 =	vld.idx.msk [tilespmem:v22+s11+$0x0], $0xffff  }
0x41: {  	s31 =	simm.s32 $0x2;
	v17 =	vimm.f32 $0.0e+00;
	v32 =	vor.u32 v18, v25;
	v35 =	vor.u32 v13, v25;
	v30 =	vld.idx.msk [tilespmem:v23+s11+$0x0], $0xffff  }
0x42: {  	v29 =	vor.u32 v16, v25;
	v31 =	vor.u32 v14, v25;
	v22 =	vmov s31;
	v28 =	vld.idx.msk [tilespmem:v24+s11+$0x0], $0xffff  }
0x43: {  	v25 =	vimm.f32 $0.0e+00;
	v27 =	vld.idx.msk [tilespmem:v27+s11+$0x0], $0xffff;
	v23 =	vimm.f32 $0.0e+00;
	v22 =	vand.u32 $0x7F, v22  }
0x44: {  	s22 =	simm.s32 $0x3;
	v24 =	vimm.f32 $0.0e+00;
	v33 =	vbroadcast v22, $0x0;
	v22 =	vimm.f32 $0.0e+00;
	v19 =	vld.idx.msk [tilespmem:v19+s13+$0x0], $0xffff  }
.LBB2_4:
0x45: {  	p0 =	sne.s32 s22, $0x3F;
	v36 =	vmul.f32 v21, v20;
	v21 =	vld.idx.msk [tilespmem:v34+s11+$0x0], $0xffff;
	v37 =	vmul.f32 v26, v20;
	s23 =	smov.u32 s22;
	s22 =	sadd.s32 $0x1, s22  }
0x46: {  	v40 =	vmul.f32 v30, v20;
	v38 =	vor.u32 v4, v33;
	v39 =	vor.u32 v18, v33;
	v26 =	vld.idx.msk [tilespmem:v35+s11+$0x0], $0xffff  }
.Ltmp0:
0x47: {  	v34 =	vor.u32 v15, v33;
	v41 =	vor.u32 v16, v33;
	v42 =	vmul.f32 v28, v20;
	v30 =	vld.idx.msk [tilespmem:v32+s11+$0x0], $0xffff;
	(pc) =	sbr.rel @p0 .LBB2_4-.Ltmp0, $4  }
0x48: {  	v35 =	vor.u32 v13, v33;
	v17 =	vadd.f32 v40, v17;
	v28 =	vld.idx.msk [tilespmem:v31+s11+$0x0], $0xffff;
	v31 =	vor.u32 v14, v33  }
0x49: {  	v32 =	vmovc v39;
	v33 =	vmov s23;
	v40 =	vmul.f32 v27, v20;
	v23 =	vadd.f32 v42, v23  }
0x4a: {  	v25 =	vadd.f32 v36, v25;
	v24 =	vadd.f32 v37, v24;
	v33 =	vand.u32 $0x7F, v33;
	v27 =	vld.idx.msk [tilespmem:v29+s11+$0x0], $0xffff;
	v29 =	vmovc v41  }
0x4b: {  	v20 =	vmov v19;
	v33 =	vbroadcast v33, $0x0;
	v22 =	vadd.f32 v40, v22;
	v19 =	vld.idx.msk [tilespmem:v38+s13+$0x0], $0xffff  }
0x4c: {  	_ =	sdelay $0x2  }
0x4d: {  	v36 =	vor.u32 v4, v33  }
0x4e: {  	v34 =	vld.idx.msk [tilespmem:v34+s11+$0x0], $0xffff;
	v18 =	vor.u32 v18, v33  }
0x4f: {  	v32 =	vld.idx.msk [tilespmem:v32+s11+$0x0], $0xffff;
	v21 =	vmul.f32 v21, v20  }
0x50: {  	v31 =	vld.idx.msk [tilespmem:v31+s11+$0x0], $0xffff;
	v30 =	vmul.f32 v30, v20;
	v26 =	vmul.f32 v26, v20  }
0x51: {  	v29 =	vld.idx.msk [tilespmem:v29+s11+$0x0], $0xffff;
	v58 =	vand.u32 $0xFF, v12;
	v60 =	vadd.s32 v7, v12;
	v61 =	vadd.s32 v8, v12  }
0x52: {  	v62 =	vadd.s32 v9, v12;
	v63 =	vadd.s32 v10, v12;
	v15 =	vor.u32 v15, v33;
	v36 =	vld.idx.msk [tilespmem:v36+s13+$0x0], $0xffff  }
0x53: {  	v16 =	vor.u32 v16, v33;
	v28 =	vmul.f32 v28, v20;
	v14 =	vor.u32 v14, v33;
	v18 =	vld.idx.msk [tilespmem:v18+s11+$0x0], $0xffff  }
0x54: {  	v35 =	vld.idx.msk [tilespmem:v35+s11+$0x0], $0xffff;
	v13 =	vor.u32 v13, v33;
	v59 =	vor.u32 v5, v58;
	v12 =	vand.u32 $0x1FF, v63  }
0x55: {  	v17 =	vadd.f32 v30, v17;
	v21 =	vadd.f32 v21, v25;
	v51 =	vmul.f32 v27, v20  }
0x56: {  	v24 =	vadd.f32 v26, v24;
	v25 =	vand.u32 $0x1FF, v62;
	v52 =	vmul.f32 v32, v19  }
0x57: {  	v23 =	vadd.f32 v28, v23;
	v20 =	vadd.f32 v51, v22;
	v56 =	vmul.f32 v29, v19;
	v15 =	vld.idx.msk [tilespmem:v15+s11+$0x0], $0xffff  }
0x58: {  	v53 =	vmul.f32 v31, v19;
	v16 =	vld.idx.msk [tilespmem:v16+s11+$0x0], $0xffff;
	v17 =	vadd.f32 v52, v17;
	v18 =	vmul.f32 v18, v36  }
0x59: {  	v54 =	vmul.f32 v34, v19;
	v55 =	vmul.f32 v35, v19;
	v14 =	vld.idx.msk [tilespmem:v14+s11+$0x0], $0xffff;
	v19 =	vadd.f32 v56, v20  }
0x5a: {  	v13 =	vld.idx.msk [tilespmem:v13+s11+$0x0], $0xffff;
	v20 =	vand.u32 $0x1FF, v60;
	v17 =	vadd.f32 v18, v17;
	v18 =	vadd.s32 v4, v59  }
0x5b: {  	v57 =	vadd.f32 v55, v24;
	v24 =	vand.u32 $0x1FF, v61;
	v20 =	vadd.s32 v4, v20  }
0x5c: {  	v21 =	vadd.f32 v54, v21;
	v24 =	vadd.s32 v4, v24;
	v15 =	vmul.f32 v15, v36  }
0x5d: {  	s21 =	sadd.s32 $0x1, s21;
	v12 =	vadd.s32 v4, v12;
	v25 =	vadd.s32 v4, v25;
	v16 =	vmul.f32 v16, v36  }
0x5e: {  	p0 =	sne.s32 s21, $0x5;
	v23 =	vadd.f32 v53, v23;
	v14 =	vmul.f32 v14, v36;
	v15 =	vadd.f32 v15, v21  }
.Ltmp1:
0x5f: {  	v13 =	vmul.f32 v13, v36;
	v16 =	vadd.f32 v16, v19;
	[tilespmem:v18+s15+$0x0] =	vst.idx.msk $0xffff, v17;
	(pc) =	sbr.rel @p0 .LBB2_3-.Ltmp1, $4  }
0x60: {  	v14 =	vadd.f32 v14, v23;
	[tilespmem:v20+s15+$0x0] =	vst.idx.msk $0xffff, v15  }
0x61: {  	v13 =	vadd.f32 v13, v57;
	[tilespmem:v24+s15+$0x0] =	vst.idx.msk $0xffff, v16  }
0x62: {  	[tilespmem:v25+s15+$0x0] =	vst.idx.msk $0xffff, v14  }
0x63: {  	[tilespmem:v12+s15+$0x0] =	vst.idx.msk $0xffff, v13  }
0x64: {  	p0 =	seq.s32 s18, $0xF  }
0x65: {  	s20 =	smul.u32 @!p0 $0xD00, s18;
	_ =	sdelay $0x1  }
0x66: {  	s20 =	sshra.s32 @!p0 s20, $0x2  }
0x67: {  	s22 =	simm.s32 @!p0 $0x1A0;
	s23 =	simm.s32 @!p0 $0x3400;
	s21 =	sadd.s32 @!p0 $0x340, s20  }
0x68: {  	[tilespmem:s23], [sflag:$0x1] =	stream.indirect.gather @!p0 [hbm4b:s4+s22], $0x80, s21, s22, $0xb8;
	[tilespmem:$0x1DC00] =	vst v63  }
0x69: {  	_ =	swait.ge [sflag:s16], $0xD000  }
0x6a: {  	[sflag:s16] =	ssyncset.done $0x0  }
0x6b: {  	s21 =	simm.s32 $0x0;
	s22 =	simm.s32 $0x0;
	[sflag:s16] =	ssyncadd.s32 $0xFFFF3000  }
.LBB2_7:
0x6c: {  	s23 =	smul.u32 $0x14, s22;
	v12 =	vmov s21  }
0x6d: {  	v13 =	vand.u32 $0x7F, v12  }
0x6e: {  	v12 =	vmov s23;
	v17 =	vbroadcast v13, $0x0  }
0x6f: {  	v16 =	vshll.u32 v12, $0x7  }
0x70: {  	v15 =	vadd.s32 v6, v16;
	v19 =	vor.u32 v11, v17  }
0x71: {  	s30 =	simm.s32 $0x1;
	v13 =	vadd.s32 v1, v16;
	v21 =	vor.u32 v15, v17  }
0x72: {  	v20 =	vmov s30;
	v18 =	vadd.s32 v0, v16;
	v22 =	vor.u32 v13, v17  }
0x73: {  	v20 =	vand.u32 $0x7F, v20;
	v14 =	vadd.s32 v2, v16;
	v23 =	vor.u32 v18, v17  }
0x74: {  	v25 =	vbroadcast v20, $0x0;
	v16 =	vadd.s32 v3, v16;
	v24 =	vor.u32 v14, v17  }
0x75: {  	v27 =	vor.u32 v16, v17;
	v20 =	vld.idx.msk [tilespmem:v19+s13+$0x0], $0xffff  }
0x76: {  	v19 =	vor.u32 v11, v25;
	v21 =	vld.idx.msk [tilespmem:v21+s12+$0x0], $0xffff  }
0x77: {  	v34 =	vor.u32 v15, v25;
	v26 =	vld.idx.msk [tilespmem:v22+s12+$0x0], $0xffff  }
0x78: {  	s31 =	simm.s32 $0x2;
	v17 =	vimm.f32 $0.0e+00;
	v32 =	vor.u32 v18, v25;
	v35 =	vor.u32 v13, v25;
	v30 =	vld.idx.msk [tilespmem:v23+s12+$0x0], $0xffff  }
0x79: {  	v29 =	vor.u32 v16, v25;
	v31 =	vor.u32 v14, v25;
	v22 =	vmov s31;
	v28 =	vld.idx.msk [tilespmem:v24+s12+$0x0], $0xffff  }
0x7a: {  	v25 =	vimm.f32 $0.0e+00;
	v27 =	vld.idx.msk [tilespmem:v27+s12+$0x0], $0xffff;
	v23 =	vimm.f32 $0.0e+00;
	v22 =	vand.u32 $0x7F, v22  }
0x7b: {  	s23 =	simm.s32 $0x3;
	v24 =	vimm.f32 $0.0e+00;
	v33 =	vbroadcast v22, $0x0;
	v22 =	vimm.f32 $0.0e+00;
	v19 =	vld.idx.msk [tilespmem:v19+s13+$0x0], $0xffff  }
.LBB2_8:
0x7c: {  	p1 =	sne.s32 s23, $0x3F;
	v36 =	vmul.f32 v21, v20;
	v21 =	vld.idx.msk [tilespmem:v34+s12+$0x0], $0xffff;
	v37 =	vmul.f32 v26, v20;
	s24 =	smov.u32 s23;
	s23 =	sadd.s32 $0x1, s23  }
0x7d: {  	v40 =	vmul.f32 v30, v20;
	v38 =	vor.u32 v11, v33;
	v39 =	vor.u32 v18, v33;
	v26 =	vld.idx.msk [tilespmem:v35+s12+$0x0], $0xffff  }
.Ltmp2:
0x7e: {  	v34 =	vor.u32 v15, v33;
	v41 =	vor.u32 v16, v33;
	v42 =	vmul.f32 v28, v20;
	v30 =	vld.idx.msk [tilespmem:v32+s12+$0x0], $0xffff;
	(pc) =	sbr.rel @p1 .LBB2_8-.Ltmp2, $4  }
0x7f: {  	v35 =	vor.u32 v13, v33;
	v17 =	vadd.f32 v40, v17;
	v28 =	vld.idx.msk [tilespmem:v31+s12+$0x0], $0xffff;
	v31 =	vor.u32 v14, v33  }
0x80: {  	v32 =	vmovc v39;
	v33 =	vmov s24;
	v40 =	vmul.f32 v27, v20;
	v23 =	vadd.f32 v42, v23  }
0x81: {  	v25 =	vadd.f32 v36, v25;
	v24 =	vadd.f32 v37, v24;
	v33 =	vand.u32 $0x7F, v33;
	v27 =	vld.idx.msk [tilespmem:v29+s12+$0x0], $0xffff;
	v29 =	vmovc v41  }
0x82: {  	v20 =	vmov v19;
	v33 =	vbroadcast v33, $0x0;
	v22 =	vadd.f32 v40, v22;
	v19 =	vld.idx.msk [tilespmem:v38+s13+$0x0], $0xffff  }
0x83: {  	_ =	sdelay $0x2  }
0x84: {  	v36 =	vor.u32 v11, v33  }
0x85: {  	v34 =	vld.idx.msk [tilespmem:v34+s12+$0x0], $0xffff;
	v18 =	vor.u32 v18, v33  }
0x86: {  	v32 =	vld.idx.msk [tilespmem:v32+s12+$0x0], $0xffff;
	v21 =	vmul.f32 v21, v20  }
0x87: {  	v31 =	vld.idx.msk [tilespmem:v31+s12+$0x0], $0xffff;
	v30 =	vmul.f32 v30, v20;
	v26 =	vmul.f32 v26, v20  }
0x88: {  	v29 =	vld.idx.msk [tilespmem:v29+s12+$0x0], $0xffff;
	v58 =	vand.u32 $0xFF, v12;
	v60 =	vadd.s32 v7, v12;
	v61 =	vadd.s32 v8, v12  }
0x89: {  	v62 =	vadd.s32 v9, v12;
	v63 =	vadd.s32 v10, v12;
	v15 =	vor.u32 v15, v33;
	v36 =	vld.idx.msk [tilespmem:v36+s13+$0x0], $0xffff  }
0x8a: {  	v16 =	vor.u32 v16, v33;
	v28 =	vmul.f32 v28, v20;
	v14 =	vor.u32 v14, v33;
	v18 =	vld.idx.msk [tilespmem:v18+s12+$0x0], $0xffff  }
0x8b: {  	v35 =	vld.idx.msk [tilespmem:v35+s12+$0x0], $0xffff;
	v13 =	vor.u32 v13, v33;
	v59 =	vor.u32 v5, v58;
	v12 =	vand.u32 $0x1FF, v63  }
0x8c: {  	v17 =	vadd.f32 v30, v17;
	v21 =	vadd.f32 v21, v25;
	v51 =	vmul.f32 v27, v20  }
0x8d: {  	v24 =	vadd.f32 v26, v24;
	v25 =	vand.u32 $0x1FF, v62;
	v52 =	vmul.f32 v32, v19  }
0x8e: {  	v23 =	vadd.f32 v28, v23;
	v20 =	vadd.f32 v51, v22;
	v56 =	vmul.f32 v29, v19;
	v15 =	vld.idx.msk [tilespmem:v15+s12+$0x0], $0xffff  }
0x8f: {  	v53 =	vmul.f32 v31, v19;
	v16 =	vld.idx.msk [tilespmem:v16+s12+$0x0], $0xffff;
	v17 =	vadd.f32 v52, v17;
	v18 =	vmul.f32 v18, v36  }
0x90: {  	v54 =	vmul.f32 v34, v19;
	v55 =	vmul.f32 v35, v19;
	v14 =	vld.idx.msk [tilespmem:v14+s12+$0x0], $0xffff;
	v19 =	vadd.f32 v56, v20  }
0x91: {  	v13 =	vld.idx.msk [tilespmem:v13+s12+$0x0], $0xffff;
	v20 =	vand.u32 $0x1FF, v60;
	v17 =	vadd.f32 v18, v17;
	v18 =	vadd.s32 v11, v59  }
0x92: {  	v57 =	vadd.f32 v55, v24;
	v24 =	vand.u32 $0x1FF, v61;
	v20 =	vadd.s32 v11, v20  }
0x93: {  	v21 =	vadd.f32 v54, v21;
	v24 =	vadd.s32 v11, v24;
	v15 =	vmul.f32 v15, v36  }
0x94: {  	s22 =	sadd.s32 $0x1, s22;
	v12 =	vadd.s32 v11, v12;
	v25 =	vadd.s32 v11, v25;
	v16 =	vmul.f32 v16, v36  }
0x95: {  	p1 =	sne.s32 s22, $0x5;
	v23 =	vadd.f32 v53, v23;
	v14 =	vmul.f32 v14, v36;
	v15 =	vadd.f32 v15, v21  }
.Ltmp3:
0x96: {  	v13 =	vmul.f32 v13, v36;
	v16 =	vadd.f32 v16, v19;
	[tilespmem:v18+s15+$0x0] =	vst.idx.msk $0xffff, v17;
	(pc) =	sbr.rel @p1 .LBB2_7-.Ltmp3, $4  }
0x97: {  	v14 =	vadd.f32 v14, v23;
	[tilespmem:v20+s15+$0x0] =	vst.idx.msk $0xffff, v15  }
0x98: {  	v13 =	vadd.f32 v13, v57;
	[tilespmem:v24+s15+$0x0] =	vst.idx.msk $0xffff, v16  }
0x99: {  	[tilespmem:v25+s15+$0x0] =	vst.idx.msk $0xffff, v14  }
0x9a: {  	[tilespmem:v12+s15+$0x0] =	vst.idx.msk $0xffff, v13  }
0x9b: {  	s20 =	sadd.s32 @!p0 $0x4E0, s20  }
0x9c: {  	s21 =	simm.s32 @!p0 $0x1A0;
	s22 =	simm.s32 @!p0 $0x10400;
	s18 =	sadd.s32 $0x1, s18  }
0x9d: {  	[tilespmem:s22], [sflag:$0x2] =	stream.indirect.gather @!p0 [hbm4b:s4+s21], $0x80, s20, s21, $0xb8;
	[tilespmem:$0x1DC00] =	vst v63  }
0x9e: {  	p0 =	sne.s32 s18, $0x10  }
.Ltmp4:
0x9f: {  	s19 =	sadd.s32 s5, s19;
	(pc) =	sbr.rel @p0 .LBB2_2-.Ltmp4, $4  }
0xa0: {  	[hbm4b:s19+s2] =	stream.linear.scatter [tilespmem:s15], [sflag:$0x3], $0x400, $0x38;
	[tilespmem:$0x1DC00] =	vst v63  }
0xa1: {  	_ =	swait.ge [sflag:s9], $0x400  }
0xa2: {  	[sflag:s9] =	ssyncset.done $0x0  }
0xa3: {  	[sflag:s9] =	ssyncadd.s32 $0xFFFFFC00  }
0xa4: {  	s17 =	sadd.s32 $0x1, s17  }
0xa5: {  	p0 =	sne.s32 s17, s8  }
.Ltmp5:
0xa6: {  	_ = 	snop;
	(pc) =	sbr.rel @p0 .LBB2_1-.Ltmp5, $1  }
0xa7: {  	_ =	sdelay $0x3  }
0xa8: {  	_ =	sfence.sel $0x180000  }
0xa9: {  	[bflag:$0x0] =	sbarrier.arrive $0xFFFF  }
0xaa: {  	p0 =	sne.s32 s0, $0x0;
	_ =	strace $0x90000047  }
0xab: {  	s0 =	sadd.s32 @!p0 $0x100000, s1;
	[bflag:$0x2] =	sbarrier.arrive $0xFFFF  }
0xac: {  	[sflag:s0] =	ssyncadd.tile.s32 @!p0 $0x1;
	_ =	shalt  }
.Lfunc_end2:
_tile_overlayer_lowered:
.L_overlay_start_2:
0xad: {  	(tag) =	ssettag $0x2  }
0xae: {  	s0 =	rddreg [dreg:$0x0];
	s2 =	stileid.u32  }
0xaf: {  	s1 =	rddreg [dreg:$0x1];
	p0 =	sne.s32 s2, $0x0  }
0xb0: {  	s3 =	rddreg [dreg:$0x2];
	[bflag:$0x3] =	sbarrier.arrive $0xFFFF;
	s2 =	simm.s32 @!p0 $0x1C03  }
0xb1: {  	[timem:s3], [sflag:s2] =	dma.local @!p0 [hbm:s0], s1  }
0xb2: {  	s0 =	simm.s32 @!p0 $0x3  }
0xb3: {  	_ =	swait.ge @!p0 [sflag:s0], s1  }
0xb4: {  	s1 =	ssub.s32 @!p0 $0x0, s1;
	[sflag:s0] =	ssyncset.done @!p0 $0x0  }
0xb5: {  	[sflag:s0] =	ssyncadd.s32 @!p0 s1  }
0xb6: {  	[bflag:$0x3] =	sbarrier.arrive $0xFFFF  }
0xb7: {  	_ =	shalt  }

</sc_bundles>
